<compile_context>
chip_gen: v7x
topology: tpu7x:2x2x1
jax: 0.10.2.dev20260603
libtpu: 0.0.44.dev20260713+nightly
codegen_flags: <defaults>
</compile_context>

<pallas_src>
import functools

import jax
import jax.numpy as jnp
from jax.experimental import pallas as pl
from jax.experimental.pallas import tpu as pltpu
from jax.experimental.pallas import tpu_sc as plsc

_K = 8
_INF = float('inf')
_N = 10000
_NP2 = 10112
_E2 = _NP2 * _K
_EB = 1024
_NB = 79
_HP = 128



def _knn_body(n_valid, x1_ref, x2_ref, sqr_ref, sqc_ref, idr_ref, idc_ref,
              out_ref, bv, bi):
    i = pl.program_id(0)
    j = pl.program_id(1)

    @pl.when(j == 0)
    def _init():
        bv[...] = jnp.full(bv.shape, _INF, jnp.float32)
        bi[...] = jnp.full(bi.shape, 2.0e9, jnp.float32)

    xr = x1_ref[...]
    xc = x2_ref[...]
    g = jax.lax.dot_general(xr, xc, (((1,), (1,)), ((), ())),
                            preferred_element_type=jnp.float32)
    sqr = sqr_ref[...][:, 0:1]
    sqc = sqc_ref[...][0:1, :]
    d = (sqr - 2.0 * g) + sqc
    R, C = d.shape
    colf = idc_ref[...][0:1, :]
    d = jnp.where(colf == idr_ref[...][:, 0:1], _INF, d)

    bigf = jnp.float32(2.0e9)
    bl_v = []
    bl_i = []
    for _ in range(_K):
        m = jnp.min(d, axis=1, keepdims=True)
        cand = jnp.where(d == m, colf, bigf)
        am = jnp.min(cand, axis=1, keepdims=True)
        d = jnp.where(cand == am, _INF, d)
        bl_v.append(m)
        bl_i.append(am)
    cv = jnp.concatenate([bv[...]] + bl_v, axis=1)
    ci = jnp.concatenate([bi[...]] + bl_i, axis=1)
    nv = []
    ni = []
    for _ in range(_K):
        m = jnp.min(cv, axis=1, keepdims=True)
        c2 = jnp.where(cv == m, ci, bigf)
        am = jnp.min(c2, axis=1, keepdims=True)
        cv = jnp.where(c2 == am, _INF, cv)
        nv.append(m)
        ni.append(am)
    bv[...] = jnp.concatenate(nv, axis=1)
    bi[...] = jnp.concatenate(ni, axis=1)

    @pl.when(j == pl.num_programs(1) - 1)
    def _out():
        out_ref[...] = bi[...].astype(jnp.int32)


def _knn(x):
    n, d_dim = x.shape
    R, C = 256, 1024
    npad = ((n + C - 1) // C) * C
    xp = jnp.pad(x, ((0, npad - n), (0, 0)))
    sq = jnp.sum(x * x, axis=1)
    sqp = jnp.pad(sq, (0, npad - n))
    sqr = jnp.broadcast_to(sqp[:, None], (npad, 8))
    sqcm = jnp.where(jnp.arange(npad) >= n, jnp.inf, sqp)
    sqc = jnp.broadcast_to(sqcm[None, :], (8, npad))
    ids = jnp.arange(npad, dtype=jnp.float32)
    idr = jnp.broadcast_to(ids[:, None], (npad, 8))
    idc = jnp.broadcast_to(ids[None, :], (8, npad))
    grid = (npad // R, npad // C)
    out = pl.pallas_call(
        functools.partial(_knn_body, n),
        grid=grid,
        in_specs=[
            pl.BlockSpec((R, d_dim), lambda i, j: (i, 0)),
            pl.BlockSpec((C, d_dim), lambda i, j: (j, 0)),
            pl.BlockSpec((R, 8), lambda i, j: (i, 0)),
            pl.BlockSpec((8, C), lambda i, j: (0, j)),
            pl.BlockSpec((R, 8), lambda i, j: (i, 0)),
            pl.BlockSpec((8, C), lambda i, j: (0, j)),
        ],
        out_specs=pl.BlockSpec((R, _K), lambda i, j: (i, 0)),
        out_shape=jax.ShapeDtypeStruct((npad, _K), jnp.int32),
        scratch_shapes=[
            pltpu.VMEM((R, _K), jnp.float32),
            pltpu.VMEM((R, _K), jnp.float32),
        ],
    )(xp, xp, sqr, sqc, idr, idc)
    return out[:n]



def _sc_gather(table, idx):
    v, h = table.shape
    b = idx.shape[0]
    nw = 32
    bpw = b // nw
    nch = 4
    ch = bpw // nch

    mesh = plsc.VectorSubcoreMesh(core_axis_name="c", subcore_axis_name="s")

    @functools.partial(
        pl.kernel, mesh=mesh,
        out_type=jax.ShapeDtypeStruct((b, h), jnp.float32),
        scratch_types=[
            pltpu.VMEM((ch,), jnp.int32),
            pltpu.VMEM((ch, h), jnp.float32),
            pltpu.SemaphoreType.DMA,
        ],
    )
    def k(table_hbm, idx_hbm, out_hbm, idx_v, rows_v, sem):
        wid = jax.lax.axis_index("s") * 2 + jax.lax.axis_index("c")
        base = wid * bpw
        for c in range(nch):
            off = base + c * ch
            pltpu.sync_copy(idx_hbm.at[pl.ds(off, ch)], idx_v)
            pltpu.async_copy(table_hbm.at[idx_v], rows_v, sem).wait()
            pltpu.sync_copy(rows_v, out_hbm.at[pl.ds(off, ch)])

    return k(table, idx)




def _bn(x, g, b):
    m = jnp.mean(x, axis=0)
    v = jnp.var(x, axis=0)
    return g * (x - m) / jnp.sqrt(v + 1e-5) + b


def _edgeconv(x, p):
    n, d_dim = x.shape
    idx = _knn(x)
    xp = jnp.pad(x, ((0, _NP2 - n), (0, _HP - d_dim)))
    idxf = jnp.full((_E2,), _N, jnp.int32)
    idxf = jax.lax.dynamic_update_slice(idxf, idx.reshape(-1), (0,))
    xj = _sc_gather(xp, idxf)[: n * _K, :d_dim]
    xi = jnp.broadcast_to(x[:, None, :], (n, _K, d_dim))
    m = jnp.concatenate([xi, xj.reshape(n, _K, d_dim) - xi,
                         ], axis=-1).reshape(n * _K, 2 * d_dim)
    h = m
    for li in ('1', '2', '3'):
        h = h @ p['w' + li] + p['b' + li]
        h = jax.nn.relu(_bn(h, p['g' + li], p['be' + li]))
    return h.reshape(n, _K, -1).sum(axis=1)


def kernel(X, params):
    h = _edgeconv(X, params['block1'])
    h = _edgeconv(h, params['block2'])
    h = _edgeconv(h, params['block3'])
    h = jax.nn.relu(h @ params['we1'] + params['wbe1'])
    out = jax.nn.sigmoid(h @ params['we2'] + params['wbe2'])
    return out.squeeze(-1)

# --- scband reference (transcript-rebuilt; emitter-appended) ---
"""Pipeline reference for scband-lcgraph-net-63084479643693 (READ-ONLY COPY).

The authoritative reference and input builder live on the scoring server;
editing this copy changes nothing except your own understanding.
"""

import jax, jax.numpy as jnp
import numpy as np

K = 8

def knn_idx(x, k):
    # knn_graph on x (no self loops), chunked to bound peak memory
    x = jax.lax.stop_gradient(x)
    n = x.shape[0]
    sq = jnp.sum(x * x, axis=1)
    chunk = 2500
    outs = []
    for s in range(0, n, chunk):
        e = min(s + chunk, n)
        xc = x[s:e]
        d = sq[s:e][:, None] - 2.0 * (xc @ x.T) + sq[None, :]
        d = d.at[jnp.arange(e - s), jnp.arange(s, e)].set(jnp.inf)
        _, idx = jax.lax.top_k(-d, k)
        outs.append(idx)
    return jnp.concatenate(outs, axis=0)

def bn(x, g, b):
    # BatchNorm1d in training mode: batch stats, biased variance, eps=1e-5
    m = jnp.mean(x, axis=0)
    v = jnp.var(x, axis=0)
    return g * (x - m) / jnp.sqrt(v + 1e-5) + b

def mlp3(m, p):
    h = jax.nn.relu(bn(m @ p['w1'] + p['b1'], p['g1'], p['be1']))
    h = jax.nn.relu(bn(h @ p['w2'] + p['b2'], p['g2'], p['be2']))
    h = jax.nn.relu(bn(h @ p['w3'] + p['b3'], p['g3'], p['be3']))
    return h

def edgeconv(x, p):
    # DynamicEdgeConv: message nn([x_i, x_j - x_i]) over kNN edges, aggr='add'
    n, d = x.shape
    idx = knn_idx(x, K)                      # [N, K] neighbor (source) indices per target node
    xi = jnp.broadcast_to(x[:, None, :], (n, K, d))
    xj = x[idx]                              # gather
    m = jnp.concatenate([xi, xj - xi], axis=-1).reshape(n * K, 2 * d)
    h = mlp3(m, p)
    return h.reshape(n, K, -1).sum(axis=1)   # sum-aggregate messages per node

def make_block(key, in_dim, hid):
    ks = jax.random.split(key, 3)
    p = {}
    dims = [(2 * in_dim, hid), (hid, hid), (hid, hid)]
    for i, (fi, fo) in enumerate(dims, 1):
        p['w%d' % i] = jax.random.normal(ks[i - 1], (fi, fo), jnp.float32) * (1.0 / np.sqrt(fi))
        p['b%d' % i] = jnp.zeros((fo,), jnp.float32)
        p['g%d' % i] = jnp.ones((fo,), jnp.float32)
        p['be%d' % i] = jnp.zeros((fo,), jnp.float32)
    return p

def setup_inputs(seed: int = 0):
    key = jax.random.key(seed)
    kx, k1, k2, k3, k4, k5 = jax.random.split(key, 6)
    X = jax.random.normal(kx, (10000, 128), jnp.float32)
    params = {
        'block1': make_block(k1, 128, 64),
        'block2': make_block(k2, 64, 128),
        'block3': make_block(k3, 128, 128),
        'we1': jax.random.normal(k4, (128, 128), jnp.float32) * (1.0 / np.sqrt(128)),
        'wbe1': jnp.zeros((128,), jnp.float32),
        'we2': jax.random.normal(k5, (128, 1), jnp.float32) * (1.0 / np.sqrt(128)),
        'wbe2': jnp.zeros((1,), jnp.float32),
    }
    return {'X': X, 'params': params}

def reference(X, params):
    h = edgeconv(X, params['block1'])
    h = edgeconv(h, params['block2'])
    h = edgeconv(h, params['block3'])
    # edgenetwork: Linear -> ReLU -> Dropout(eval: identity) -> Linear -> Sigmoid
    h = jax.nn.relu(h @ params['we1'] + params['wbe1'])
    out = jax.nn.sigmoid(h @ params['we2'] + params['wbe2'])
    return out.squeeze(-1)

if __name__ == "__main__":
    import jax
    _d = setup_inputs()
    print(jax.jit(kernel)(*tuple(_d.values())))

</pallas_src>

<mosaic_0001>
#map = affine_map<(d0, d1) -> (0, 0)>
#map1 = affine_map<(d0, d1) -> (0)>
module attributes {stable_mosaic.version = 14 : i64} {
  func.func @k(%arg0: i32, %arg1: i32, %arg2: memref<10112x128xf32, #tpu.memory_space<hbm>>, %arg3: memref<80896xi32, #tpu.memory_space<hbm>>, %arg4: memref<80896x128xf32, #tpu.memory_space<hbm>>, %arg5: memref<632xi32, #tpu.memory_space<vmem>>, %arg6: memref<632x128xf32, #tpu.memory_space<vmem>>, %arg7: memref<!tpu.dma_semaphore, #tpu.memory_space<semaphore_mem>>) attributes {dimension_semantics = [#tpu.dimension_semantics<core_parallel>, #tpu.dimension_semantics<subcore_parallel>], iteration_bounds = array<i64: 2, 16>, scalar_prefetch = 0 : i64, scratch_operands = 3 : i64, tpu.core_type = #tpu.core_type<sc_vector_subcore>, window_params = [{transform_indices = #map}, {transform_indices = #map1}, {transform_indices = #map}]} {
    %mul3A = arith.constant 2 : i32
    %mul3A_0 = arith.muli %arg1, %mul3A : i32
    %add3A = arith.addi %mul3A_0, %arg0 : i32
    %mul3A_1 = arith.constant 2528 : i32
    %mul3A_2 = arith.muli %add3A, %mul3A_1 : i32
    %add3A_3 = arith.constant 0 : i32
    %add3A_4 = arith.addi %mul3A_2, %add3A_3 : i32
    "tpu.region"() ({
      %run_scoped3A = tpu.sem_alloc : memref<!tpu.dma_semaphore, #tpu.memory_space<semaphore_mem>>
      %dma_start3A_33 = tpu.memref_slice %arg3[%add3A_4] : memref<80896xi32, #tpu.memory_space<hbm>> -> memref<632xi32, #tpu.memory_space<hbm>>
      %dma_start3A_34 = tpu.memref_slice %arg3[%add3A_4] : memref<80896xi32, #tpu.memory_space<hbm>> -> memref<632xi32, #tpu.memory_space<hbm>>
      tpu.enqueue_dma source(%dma_start3A_34 : memref<632xi32, #tpu.memory_space<hbm>>) target(%arg5 : memref<632xi32, #tpu.memory_space<vmem>>) target_semaphore(%run_scoped3A : memref<!tpu.dma_semaphore, #tpu.memory_space<semaphore_mem>>)
      %dma_wait3A_35 = tpu.memref_slice %arg3[%add3A_4] : memref<80896xi32, #tpu.memory_space<hbm>> -> memref<632xi32, #tpu.memory_space<hbm>>
      %dma_wait3A_36 = tpu.memref_slice %arg3[%add3A_4] : memref<80896xi32, #tpu.memory_space<hbm>> -> memref<632xi32, #tpu.memory_space<hbm>>
      tpu.wait_dma2 semaphore(%run_scoped3A : memref<!tpu.dma_semaphore, #tpu.memory_space<semaphore_mem>>) src(%dma_wait3A_36 : memref<632xi32, #tpu.memory_space<hbm>>) dst(%arg5 : memref<632xi32, #tpu.memory_space<vmem>>)
      tpu.yield
    }) : () -> ()
    %dma_start3A = arith.constant 0 : i32
    %dma_start3A_5 = arith.constant 0 : i32
    %dma_start3A_6 = tpu.memref_slice %arg2[%dma_start3A, %dma_start3A_5] : memref<10112x128xf32, #tpu.memory_space<hbm>> -> memref<10112x128xf32, #tpu.memory_space<hbm>>
    tpu.enqueue_indirect_dma source(%dma_start3A_6 : memref<10112x128xf32, #tpu.memory_space<hbm>>) target(%arg6 : memref<632x128xf32, #tpu.memory_space<vmem>>) offsets(%arg5 : memref<632xi32, #tpu.memory_space<vmem>>) semaphore(%arg7 : memref<!tpu.dma_semaphore, #tpu.memory_space<semaphore_mem>>)
    %dma_wait3A = arith.constant 0 : i32
    %dma_wait3A_7 = arith.constant 0 : i32
    %dma_wait3A_8 = tpu.memref_slice %arg2[%dma_wait3A, %dma_wait3A_7] : memref<10112x128xf32, #tpu.memory_space<hbm>> -> memref<10112x128xf32, #tpu.memory_space<hbm>>
    tpu.wait_indirect_dma semaphore(%arg7 : memref<!tpu.dma_semaphore, #tpu.memory_space<semaphore_mem>>) src(%dma_wait3A_8 : memref<10112x128xf32, #tpu.memory_space<hbm>>) dst(%arg6 : memref<632x128xf32, #tpu.memory_space<vmem>>)
    "tpu.region"() ({
      %run_scoped3A = tpu.sem_alloc : memref<!tpu.dma_semaphore, #tpu.memory_space<semaphore_mem>>
      %dma_start3A_33 = arith.constant 0 : i32
      %dma_start3A_34 = tpu.memref_slice %arg4[%add3A_4, %dma_start3A_33] : memref<80896x128xf32, #tpu.memory_space<hbm>> -> memref<632x128xf32, #tpu.memory_space<hbm>>
      %dma_start3A_35 = arith.constant 0 : i32
      %dma_start3A_36 = tpu.memref_slice %arg4[%add3A_4, %dma_start3A_35] : memref<80896x128xf32, #tpu.memory_space<hbm>> -> memref<632x128xf32, #tpu.memory_space<hbm>>
      tpu.enqueue_dma source(%arg6 : memref<632x128xf32, #tpu.memory_space<vmem>>) target(%dma_start3A_36 : memref<632x128xf32, #tpu.memory_space<hbm>>) target_semaphore(%run_scoped3A : memref<!tpu.dma_semaphore, #tpu.memory_space<semaphore_mem>>)
      %dma_wait3A_37 = arith.constant 0 : i32
      %dma_wait3A_38 = tpu.memref_slice %arg4[%add3A_4, %dma_wait3A_37] : memref<80896x128xf32, #tpu.memory_space<hbm>> -> memref<632x128xf32, #tpu.memory_space<hbm>>
      %dma_wait3A_39 = arith.constant 0 : i32
      %dma_wait3A_40 = tpu.memref_slice %arg4[%add3A_4, %dma_wait3A_39] : memref<80896x128xf32, #tpu.memory_space<hbm>> -> memref<632x128xf32, #tpu.memory_space<hbm>>
      tpu.wait_dma2 semaphore(%run_scoped3A : memref<!tpu.dma_semaphore, #tpu.memory_space<semaphore_mem>>) src(%arg6 : memref<632x128xf32, #tpu.memory_space<vmem>>) dst(%dma_wait3A_40 : memref<632x128xf32, #tpu.memory_space<hbm>>)
      tpu.yield
    }) : () -> ()
    %add3A_9 = arith.constant 632 : i32
    %add3A_10 = arith.addi %mul3A_2, %add3A_9 : i32
    "tpu.region"() ({
      %run_scoped3A = tpu.sem_alloc : memref<!tpu.dma_semaphore, #tpu.memory_space<semaphore_mem>>
      %dma_start3A_33 = tpu.memref_slice %arg3[%add3A_10] : memref<80896xi32, #tpu.memory_space<hbm>> -> memref<632xi32, #tpu.memory_space<hbm>>
      %dma_start3A_34 = tpu.memref_slice %arg3[%add3A_10] : memref<80896xi32, #tpu.memory_space<hbm>> -> memref<632xi32, #tpu.memory_space<hbm>>
      tpu.enqueue_dma source(%dma_start3A_34 : memref<632xi32, #tpu.memory_space<hbm>>) target(%arg5 : memref<632xi32, #tpu.memory_space<vmem>>) target_semaphore(%run_scoped3A : memref<!tpu.dma_semaphore, #tpu.memory_space<semaphore_mem>>)
      %dma_wait3A_35 = tpu.memref_slice %arg3[%add3A_10] : memref<80896xi32, #tpu.memory_space<hbm>> -> memref<632xi32, #tpu.memory_space<hbm>>
      %dma_wait3A_36 = tpu.memref_slice %arg3[%add3A_10] : memref<80896xi32, #tpu.memory_space<hbm>> -> memref<632xi32, #tpu.memory_space<hbm>>
      tpu.wait_dma2 semaphore(%run_scoped3A : memref<!tpu.dma_semaphore, #tpu.memory_space<semaphore_mem>>) src(%dma_wait3A_36 : memref<632xi32, #tpu.memory_space<hbm>>) dst(%arg5 : memref<632xi32, #tpu.memory_space<vmem>>)
      tpu.yield
    }) : () -> ()
    %dma_start3A_11 = arith.constant 0 : i32
    %dma_start3A_12 = arith.constant 0 : i32
    %dma_start3A_13 = tpu.memref_slice %arg2[%dma_start3A_11, %dma_start3A_12] : memref<10112x128xf32, #tpu.memory_space<hbm>> -> memref<10112x128xf32, #tpu.memory_space<hbm>>
    tpu.enqueue_indirect_dma source(%dma_start3A_13 : memref<10112x128xf32, #tpu.memory_space<hbm>>) target(%arg6 : memref<632x128xf32, #tpu.memory_space<vmem>>) offsets(%arg5 : memref<632xi32, #tpu.memory_space<vmem>>) semaphore(%arg7 : memref<!tpu.dma_semaphore, #tpu.memory_space<semaphore_mem>>)
    %dma_wait3A_14 = arith.constant 0 : i32
    %dma_wait3A_15 = arith.constant 0 : i32
    %dma_wait3A_16 = tpu.memref_slice %arg2[%dma_wait3A_14, %dma_wait3A_15] : memref<10112x128xf32, #tpu.memory_space<hbm>> -> memref<10112x128xf32, #tpu.memory_space<hbm>>
    tpu.wait_indirect_dma semaphore(%arg7 : memref<!tpu.dma_semaphore, #tpu.memory_space<semaphore_mem>>) src(%dma_wait3A_16 : memref<10112x128xf32, #tpu.memory_space<hbm>>) dst(%arg6 : memref<632x128xf32, #tpu.memory_space<vmem>>)
    "tpu.region"() ({
      %run_scoped3A = tpu.sem_alloc : memref<!tpu.dma_semaphore, #tpu.memory_space<semaphore_mem>>
      %dma_start3A_33 = arith.constant 0 : i32
      %dma_start3A_34 = tpu.memref_slice %arg4[%add3A_10, %dma_start3A_33] : memref<80896x128xf32, #tpu.memory_space<hbm>> -> memref<632x128xf32, #tpu.memory_space<hbm>>
      %dma_start3A_35 = arith.constant 0 : i32
      %dma_start3A_36 = tpu.memref_slice %arg4[%add3A_10, %dma_start3A_35] : memref<80896x128xf32, #tpu.memory_space<hbm>> -> memref<632x128xf32, #tpu.memory_space<hbm>>
      tpu.enqueue_dma source(%arg6 : memref<632x128xf32, #tpu.memory_space<vmem>>) target(%dma_start3A_36 : memref<632x128xf32, #tpu.memory_space<hbm>>) target_semaphore(%run_scoped3A : memref<!tpu.dma_semaphore, #tpu.memory_space<semaphore_mem>>)
      %dma_wait3A_37 = arith.constant 0 : i32
      %dma_wait3A_38 = tpu.memref_slice %arg4[%add3A_10, %dma_wait3A_37] : memref<80896x128xf32, #tpu.memory_space<hbm>> -> memref<632x128xf32, #tpu.memory_space<hbm>>
      %dma_wait3A_39 = arith.constant 0 : i32
      %dma_wait3A_40 = tpu.memref_slice %arg4[%add3A_10, %dma_wait3A_39] : memref<80896x128xf32, #tpu.memory_space<hbm>> -> memref<632x128xf32, #tpu.memory_space<hbm>>
      tpu.wait_dma2 semaphore(%run_scoped3A : memref<!tpu.dma_semaphore, #tpu.memory_space<semaphore_mem>>) src(%arg6 : memref<632x128xf32, #tpu.memory_space<vmem>>) dst(%dma_wait3A_40 : memref<632x128xf32, #tpu.memory_space<hbm>>)
      tpu.yield
    }) : () -> ()
    %add3A_17 = arith.constant 1264 : i32
    %add3A_18 = arith.addi %mul3A_2, %add3A_17 : i32
    "tpu.region"() ({
      %run_scoped3A = tpu.sem_alloc : memref<!tpu.dma_semaphore, #tpu.memory_space<semaphore_mem>>
      %dma_start3A_33 = tpu.memref_slice %arg3[%add3A_18] : memref<80896xi32, #tpu.memory_space<hbm>> -> memref<632xi32, #tpu.memory_space<hbm>>
      %dma_start3A_34 = tpu.memref_slice %arg3[%add3A_18] : memref<80896xi32, #tpu.memory_space<hbm>> -> memref<632xi32, #tpu.memory_space<hbm>>
      tpu.enqueue_dma source(%dma_start3A_34 : memref<632xi32, #tpu.memory_space<hbm>>) target(%arg5 : memref<632xi32, #tpu.memory_space<vmem>>) target_semaphore(%run_scoped3A : memref<!tpu.dma_semaphore, #tpu.memory_space<semaphore_mem>>)
      %dma_wait3A_35 = tpu.memref_slice %arg3[%add3A_18] : memref<80896xi32, #tpu.memory_space<hbm>> -> memref<632xi32, #tpu.memory_space<hbm>>
      %dma_wait3A_36 = tpu.memref_slice %arg3[%add3A_18] : memref<80896xi32, #tpu.memory_space<hbm>> -> memref<632xi32, #tpu.memory_space<hbm>>
      tpu.wait_dma2 semaphore(%run_scoped3A : memref<!tpu.dma_semaphore, #tpu.memory_space<semaphore_mem>>) src(%dma_wait3A_36 : memref<632xi32, #tpu.memory_space<hbm>>) dst(%arg5 : memref<632xi32, #tpu.memory_space<vmem>>)
      tpu.yield
    }) : () -> ()
    %dma_start3A_19 = arith.constant 0 : i32
    %dma_start3A_20 = arith.constant 0 : i32
    %dma_start3A_21 = tpu.memref_slice %arg2[%dma_start3A_19, %dma_start3A_20] : memref<10112x128xf32, #tpu.memory_space<hbm>> -> memref<10112x128xf32, #tpu.memory_space<hbm>>
    tpu.enqueue_indirect_dma source(%dma_start3A_21 : memref<10112x128xf32, #tpu.memory_space<hbm>>) target(%arg6 : memref<632x128xf32, #tpu.memory_space<vmem>>) offsets(%arg5 : memref<632xi32, #tpu.memory_space<vmem>>) semaphore(%arg7 : memref<!tpu.dma_semaphore, #tpu.memory_space<semaphore_mem>>)
    %dma_wait3A_22 = arith.constant 0 : i32
    %dma_wait3A_23 = arith.constant 0 : i32
    %dma_wait3A_24 = tpu.memref_slice %arg2[%dma_wait3A_22, %dma_wait3A_23] : memref<10112x128xf32, #tpu.memory_space<hbm>> -> memref<10112x128xf32, #tpu.memory_space<hbm>>
    tpu.wait_indirect_dma semaphore(%arg7 : memref<!tpu.dma_semaphore, #tpu.memory_space<semaphore_mem>>) src(%dma_wait3A_24 : memref<10112x128xf32, #tpu.memory_space<hbm>>) dst(%arg6 : memref<632x128xf32, #tpu.memory_space<vmem>>)
    "tpu.region"() ({
      %run_scoped3A = tpu.sem_alloc : memref<!tpu.dma_semaphore, #tpu.memory_space<semaphore_mem>>
      %dma_start3A_33 = arith.constant 0 : i32
      %dma_start3A_34 = tpu.memref_slice %arg4[%add3A_18, %dma_start3A_33] : memref<80896x128xf32, #tpu.memory_space<hbm>> -> memref<632x128xf32, #tpu.memory_space<hbm>>
      %dma_start3A_35 = arith.constant 0 : i32
      %dma_start3A_36 = tpu.memref_slice %arg4[%add3A_18, %dma_start3A_35] : memref<80896x128xf32, #tpu.memory_space<hbm>> -> memref<632x128xf32, #tpu.memory_space<hbm>>
      tpu.enqueue_dma source(%arg6 : memref<632x128xf32, #tpu.memory_space<vmem>>) target(%dma_start3A_36 : memref<632x128xf32, #tpu.memory_space<hbm>>) target_semaphore(%run_scoped3A : memref<!tpu.dma_semaphore, #tpu.memory_space<semaphore_mem>>)
      %dma_wait3A_37 = arith.constant 0 : i32
      %dma_wait3A_38 = tpu.memref_slice %arg4[%add3A_18, %dma_wait3A_37] : memref<80896x128xf32, #tpu.memory_space<hbm>> -> memref<632x128xf32, #tpu.memory_space<hbm>>
      %dma_wait3A_39 = arith.constant 0 : i32
      %dma_wait3A_40 = tpu.memref_slice %arg4[%add3A_18, %dma_wait3A_39] : memref<80896x128xf32, #tpu.memory_space<hbm>> -> memref<632x128xf32, #tpu.memory_space<hbm>>
      tpu.wait_dma2 semaphore(%run_scoped3A : memref<!tpu.dma_semaphore, #tpu.memory_space<semaphore_mem>>) src(%arg6 : memref<632x128xf32, #tpu.memory_space<vmem>>) dst(%dma_wait3A_40 : memref<632x128xf32, #tpu.memory_space<hbm>>)
      tpu.yield
    }) : () -> ()
    %add3A_25 = arith.constant 1896 : i32
    %add3A_26 = arith.addi %mul3A_2, %add3A_25 : i32
    "tpu.region"() ({
      %run_scoped3A = tpu.sem_alloc : memref<!tpu.dma_semaphore, #tpu.memory_space<semaphore_mem>>
      %dma_start3A_33 = tpu.memref_slice %arg3[%add3A_26] : memref<80896xi32, #tpu.memory_space<hbm>> -> memref<632xi32, #tpu.memory_space<hbm>>
      %dma_start3A_34 = tpu.memref_slice %arg3[%add3A_26] : memref<80896xi32, #tpu.memory_space<hbm>> -> memref<632xi32, #tpu.memory_space<hbm>>
      tpu.enqueue_dma source(%dma_start3A_34 : memref<632xi32, #tpu.memory_space<hbm>>) target(%arg5 : memref<632xi32, #tpu.memory_space<vmem>>) target_semaphore(%run_scoped3A : memref<!tpu.dma_semaphore, #tpu.memory_space<semaphore_mem>>)
      %dma_wait3A_35 = tpu.memref_slice %arg3[%add3A_26] : memref<80896xi32, #tpu.memory_space<hbm>> -> memref<632xi32, #tpu.memory_space<hbm>>
      %dma_wait3A_36 = tpu.memref_slice %arg3[%add3A_26] : memref<80896xi32, #tpu.memory_space<hbm>> -> memref<632xi32, #tpu.memory_space<hbm>>
      tpu.wait_dma2 semaphore(%run_scoped3A : memref<!tpu.dma_semaphore, #tpu.memory_space<semaphore_mem>>) src(%dma_wait3A_36 : memref<632xi32, #tpu.memory_space<hbm>>) dst(%arg5 : memref<632xi32, #tpu.memory_space<vmem>>)
      tpu.yield
    }) : () -> ()
    %dma_start3A_27 = arith.constant 0 : i32
    %dma_start3A_28 = arith.constant 0 : i32
    %dma_start3A_29 = tpu.memref_slice %arg2[%dma_start3A_27, %dma_start3A_28] : memref<10112x128xf32, #tpu.memory_space<hbm>> -> memref<10112x128xf32, #tpu.memory_space<hbm>>
    tpu.enqueue_indirect_dma source(%dma_start3A_29 : memref<10112x128xf32, #tpu.memory_space<hbm>>) target(%arg6 : memref<632x128xf32, #tpu.memory_space<vmem>>) offsets(%arg5 : memref<632xi32, #tpu.memory_space<vmem>>) semaphore(%arg7 : memref<!tpu.dma_semaphore, #tpu.memory_space<semaphore_mem>>)
    %dma_wait3A_30 = arith.constant 0 : i32
    %dma_wait3A_31 = arith.constant 0 : i32
    %dma_wait3A_32 = tpu.memref_slice %arg2[%dma_wait3A_30, %dma_wait3A_31] : memref<10112x128xf32, #tpu.memory_space<hbm>> -> memref<10112x128xf32, #tpu.memory_space<hbm>>
    tpu.wait_indirect_dma semaphore(%arg7 : memref<!tpu.dma_semaphore, #tpu.memory_space<semaphore_mem>>) src(%dma_wait3A_32 : memref<10112x128xf32, #tpu.memory_space<hbm>>) dst(%arg6 : memref<632x128xf32, #tpu.memory_space<vmem>>)
    "tpu.region"() ({
      %run_scoped3A = tpu.sem_alloc : memref<!tpu.dma_semaphore, #tpu.memory_space<semaphore_mem>>
      %dma_start3A_33 = arith.constant 0 : i32
      %dma_start3A_34 = tpu.memref_slice %arg4[%add3A_26, %dma_start3A_33] : memref<80896x128xf32, #tpu.memory_space<hbm>> -> memref<632x128xf32, #tpu.memory_space<hbm>>
      %dma_start3A_35 = arith.constant 0 : i32
      %dma_start3A_36 = tpu.memref_slice %arg4[%add3A_26, %dma_start3A_35] : memref<80896x128xf32, #tpu.memory_space<hbm>> -> memref<632x128xf32, #tpu.memory_space<hbm>>
      tpu.enqueue_dma source(%arg6 : memref<632x128xf32, #tpu.memory_space<vmem>>) target(%dma_start3A_36 : memref<632x128xf32, #tpu.memory_space<hbm>>) target_semaphore(%run_scoped3A : memref<!tpu.dma_semaphore, #tpu.memory_space<semaphore_mem>>)
      %dma_wait3A_37 = arith.constant 0 : i32
      %dma_wait3A_38 = tpu.memref_slice %arg4[%add3A_26, %dma_wait3A_37] : memref<80896x128xf32, #tpu.memory_space<hbm>> -> memref<632x128xf32, #tpu.memory_space<hbm>>
      %dma_wait3A_39 = arith.constant 0 : i32
      %dma_wait3A_40 = tpu.memref_slice %arg4[%add3A_26, %dma_wait3A_39] : memref<80896x128xf32, #tpu.memory_space<hbm>> -> memref<632x128xf32, #tpu.memory_space<hbm>>
      tpu.wait_dma2 semaphore(%run_scoped3A : memref<!tpu.dma_semaphore, #tpu.memory_space<semaphore_mem>>) src(%arg6 : memref<632x128xf32, #tpu.memory_space<vmem>>) dst(%dma_wait3A_40 : memref<632x128xf32, #tpu.memory_space<hbm>>)
      tpu.yield
    }) : () -> ()
    return
  }
}

#map = affine_map<(d0, d1) -> (0, 0)>
#map1 = affine_map<(d0, d1) -> (0)>
module attributes {stable_mosaic.version = 14 : i64} {
  func.func @k(%arg0: i32, %arg1: i32, %arg2: memref<10112x128xf32, #tpu.memory_space<hbm>>, %arg3: memref<80896xi32, #tpu.memory_space<hbm>>, %arg4: memref<80896x128xf32, #tpu.memory_space<hbm>>, %arg5: memref<632xi32, #tpu.memory_space<vmem>>, %arg6: memref<632x128xf32, #tpu.memory_space<vmem>>, %arg7: memref<!tpu.dma_semaphore, #tpu.memory_space<semaphore_mem>>) attributes {dimension_semantics = [#tpu.dimension_semantics<core_parallel>, #tpu.dimension_semantics<subcore_parallel>], iteration_bounds = array<i64: 2, 16>, scalar_prefetch = 0 : i64, scratch_operands = 3 : i64, tpu.core_type = #tpu.core_type<sc_vector_subcore>, window_params = [{transform_indices = #map}, {transform_indices = #map1}, {transform_indices = #map}]} {
    %mul3A = arith.constant 2 : i32
    %mul3A_0 = arith.muli %arg1, %mul3A : i32
    %add3A = arith.addi %mul3A_0, %arg0 : i32
    %mul3A_1 = arith.constant 2528 : i32
    %mul3A_2 = arith.muli %add3A, %mul3A_1 : i32
    %add3A_3 = arith.constant 0 : i32
    %add3A_4 = arith.addi %mul3A_2, %add3A_3 : i32
    "tpu.region"() ({
      %run_scoped3A = tpu.sem_alloc : memref<!tpu.dma_semaphore, #tpu.memory_space<semaphore_mem>>
      %dma_start3A_33 = tpu.memref_slice %arg3[%add3A_4] : memref<80896xi32, #tpu.memory_space<hbm>> -> memref<632xi32, #tpu.memory_space<hbm>>
      %dma_start3A_34 = tpu.memref_slice %arg3[%add3A_4] : memref<80896xi32, #tpu.memory_space<hbm>> -> memref<632xi32, #tpu.memory_space<hbm>>
      tpu.enqueue_dma source(%dma_start3A_34 : memref<632xi32, #tpu.memory_space<hbm>>) target(%arg5 : memref<632xi32, #tpu.memory_space<vmem>>) target_semaphore(%run_scoped3A : memref<!tpu.dma_semaphore, #tpu.memory_space<semaphore_mem>>)
      %dma_wait3A_35 = tpu.memref_slice %arg3[%add3A_4] : memref<80896xi32, #tpu.memory_space<hbm>> -> memref<632xi32, #tpu.memory_space<hbm>>
      %dma_wait3A_36 = tpu.memref_slice %arg3[%add3A_4] : memref<80896xi32, #tpu.memory_space<hbm>> -> memref<632xi32, #tpu.memory_space<hbm>>
      tpu.wait_dma2 semaphore(%run_scoped3A : memref<!tpu.dma_semaphore, #tpu.memory_space<semaphore_mem>>) src(%dma_wait3A_36 : memref<632xi32, #tpu.memory_space<hbm>>) dst(%arg5 : memref<632xi32, #tpu.memory_space<vmem>>)
      tpu.yield
    }) : () -> ()
    %dma_start3A = arith.constant 0 : i32
    %dma_start3A_5 = arith.constant 0 : i32
    %dma_start3A_6 = tpu.memref_slice %arg2[%dma_start3A, %dma_start3A_5] : memref<10112x128xf32, #tpu.memory_space<hbm>> -> memref<10112x128xf32, #tpu.memory_space<hbm>>
    tpu.enqueue_indirect_dma source(%dma_start3A_6 : memref<10112x128xf32, #tpu.memory_space<hbm>>) target(%arg6 : memref<632x128xf32, #tpu.memory_space<vmem>>) offsets(%arg5 : memref<632xi32, #tpu.memory_space<vmem>>) semaphore(%arg7 : memref<!tpu.dma_semaphore, #tpu.memory_space<semaphore_mem>>)
    %dma_wait3A = arith.constant 0 : i32
    %dma_wait3A_7 = arith.constant 0 : i32
    %dma_wait3A_8 = tpu.memref_slice %arg2[%dma_wait3A, %dma_wait3A_7] : memref<10112x128xf32, #tpu.memory_space<hbm>> -> memref<10112x128xf32, #tpu.memory_space<hbm>>
    tpu.wait_indirect_dma semaphore(%arg7 : memref<!tpu.dma_semaphore, #tpu.memory_space<semaphore_mem>>) src(%dma_wait3A_8 : memref<10112x128xf32, #tpu.memory_space<hbm>>) dst(%arg6 : memref<632x128xf32, #tpu.memory_space<vmem>>)
    "tpu.region"() ({
      %run_scoped3A = tpu.sem_alloc : memref<!tpu.dma_semaphore, #tpu.memory_space<semaphore_mem>>
      %dma_start3A_33 = arith.constant 0 : i32
      %dma_start3A_34 = tpu.memref_slice %arg4[%add3A_4, %dma_start3A_33] : memref<80896x128xf32, #tpu.memory_space<hbm>> -> memref<632x128xf32, #tpu.memory_space<hbm>>
      %dma_start3A_35 = arith.constant 0 : i32
      %dma_start3A_36 = tpu.memref_slice %arg4[%add3A_4, %dma_start3A_35] : memref<80896x128xf32, #tpu.memory_space<hbm>> -> memref<632x128xf32, #tpu.memory_space<hbm>>
      tpu.enqueue_dma source(%arg6 : memref<632x128xf32, #tpu.memory_space<vmem>>) target(%dma_start3A_36 : memref<632x128xf32, #tpu.memory_space<hbm>>) target_semaphore(%run_scoped3A : memref<!tpu.dma_semaphore, #tpu.memory_space<semaphore_mem>>)
      %dma_wait3A_37 = arith.constant 0 : i32
      %dma_wait3A_38 = tpu.memref_slice %arg4[%add3A_4, %dma_wait3A_37] : memref<80896x128xf32, #tpu.memory_space<hbm>> -> memref<632x128xf32, #tpu.memory_space<hbm>>
      %dma_wait3A_39 = arith.constant 0 : i32
      %dma_wait3A_40 = tpu.memref_slice %arg4[%add3A_4, %dma_wait3A_39] : memref<80896x128xf32, #tpu.memory_space<hbm>> -> memref<632x128xf32, #tpu.memory_space<hbm>>
      tpu.wait_dma2 semaphore(%run_scoped3A : memref<!tpu.dma_semaphore, #tpu.memory_space<semaphore_mem>>) src(%arg6 : memref<632x128xf32, #tpu.memory_space<vmem>>) dst(%dma_wait3A_40 : memref<632x128xf32, #tpu.memory_space<hbm>>)
      tpu.yield
    }) : () -> ()
    %add3A_9 = arith.constant 632 : i32
    %add3A_10 = arith.addi %mul3A_2, %add3A_9 : i32
    "tpu.region"() ({
      %run_scoped3A = tpu.sem_alloc : memref<!tpu.dma_semaphore, #tpu.memory_space<semaphore_mem>>
      %dma_start3A_33 = tpu.memref_slice %arg3[%add3A_10] : memref<80896xi32, #tpu.memory_space<hbm>> -> memref<632xi32, #tpu.memory_space<hbm>>
      %dma_start3A_34 = tpu.memref_slice %arg3[%add3A_10] : memref<80896xi32, #tpu.memory_space<hbm>> -> memref<632xi32, #tpu.memory_space<hbm>>
      tpu.enqueue_dma source(%dma_start3A_34 : memref<632xi32, #tpu.memory_space<hbm>>) target(%arg5 : memref<632xi32, #tpu.memory_space<vmem>>) target_semaphore(%run_scoped3A : memref<!tpu.dma_semaphore, #tpu.memory_space<semaphore_mem>>)
      %dma_wait3A_35 = tpu.memref_slice %arg3[%add3A_10] : memref<80896xi32, #tpu.memory_space<hbm>> -> memref<632xi32, #tpu.memory_space<hbm>>
      %dma_wait3A_36 = tpu.memref_slice %arg3[%add3A_10] : memref<80896xi32, #tpu.memory_space<hbm>> -> memref<632xi32, #tpu.memory_space<hbm>>
      tpu.wait_dma2 semaphore(%run_scoped3A : memref<!tpu.dma_semaphore, #tpu.memory_space<semaphore_mem>>) src(%dma_wait3A_36 : memref<632xi32, #tpu.memory_space<hbm>>) dst(%arg5 : memref<632xi32, #tpu.memory_space<vmem>>)
      tpu.yield
    }) : () -> ()
    %dma_start3A_11 = arith.constant 0 : i32
    %dma_start3A_12 = arith.constant 0 : i32
    %dma_start3A_13 = tpu.memref_slice %arg2[%dma_start3A_11, %dma_start3A_12] : memref<10112x128xf32, #tpu.memory_space<hbm>> -> memref<10112x128xf32, #tpu.memory_space<hbm>>
    tpu.enqueue_indirect_dma source(%dma_start3A_13 : memref<10112x128xf32, #tpu.memory_space<hbm>>) target(%arg6 : memref<632x128xf32, #tpu.memory_space<vmem>>) offsets(%arg5 : memref<632xi32, #tpu.memory_space<vmem>>) semaphore(%arg7 : memref<!tpu.dma_semaphore, #tpu.memory_space<semaphore_mem>>)
    %dma_wait3A_14 = arith.constant 0 : i32
    %dma_wait3A_15 = arith.constant 0 : i32
    %dma_wait3A_16 = tpu.memref_slice %arg2[%dma_wait3A_14, %dma_wait3A_15] : memref<10112x128xf32, #tpu.memory_space<hbm>> -> memref<10112x128xf32, #tpu.memory_space<hbm>>
    tpu.wait_indirect_dma semaphore(%arg7 : memref<!tpu.dma_semaphore, #tpu.memory_space<semaphore_mem>>) src(%dma_wait3A_16 : memref<10112x128xf32, #tpu.memory_space<hbm>>) dst(%arg6 : memref<632x128xf32, #tpu.memory_space<vmem>>)
    "tpu.region"() ({
      %run_scoped3A = tpu.sem_alloc : memref<!tpu.dma_semaphore, #tpu.memory_space<semaphore_mem>>
      %dma_start3A_33 = arith.constant 0 : i32
      %dma_start3A_34 = tpu.memref_slice %arg4[%add3A_10, %dma_start3A_33] : memref<80896x128xf32, #tpu.memory_space<hbm>> -> memref<632x128xf32, #tpu.memory_space<hbm>>
      %dma_start3A_35 = arith.constant 0 : i32
      %dma_start3A_36 = tpu.memref_slice %arg4[%add3A_10, %dma_start3A_35] : memref<80896x128xf32, #tpu.memory_space<hbm>> -> memref<632x128xf32, #tpu.memory_space<hbm>>
      tpu.enqueue_dma source(%arg6 : memref<632x128xf32, #tpu.memory_space<vmem>>) target(%dma_start3A_36 : memref<632x128xf32, #tpu.memory_space<hbm>>) target_semaphore(%run_scoped3A : memref<!tpu.dma_semaphore, #tpu.memory_space<semaphore_mem>>)
      %dma_wait3A_37 = arith.constant 0 : i32
      %dma_wait3A_38 = tpu.memref_slice %arg4[%add3A_10, %dma_wait3A_37] : memref<80896x128xf32, #tpu.memory_space<hbm>> -> memref<632x128xf32, #tpu.memory_space<hbm>>
      %dma_wait3A_39 = arith.constant 0 : i32
      %dma_wait3A_40 = tpu.memref_slice %arg4[%add3A_10, %dma_wait3A_39] : memref<80896x128xf32, #tpu.memory_space<hbm>> -> memref<632x128xf32, #tpu.memory_space<hbm>>
      tpu.wait_dma2 semaphore(%run_scoped3A : memref<!tpu.dma_semaphore, #tpu.memory_space<semaphore_mem>>) src(%arg6 : memref<632x128xf32, #tpu.memory_space<vmem>>) dst(%dma_wait3A_40 : memref<632x128xf32, #tpu.memory_space<hbm>>)
      tpu.yield
    }) : () -> ()
    %add3A_17 = arith.constant 1264 : i32
    %add3A_18 = arith.addi %mul3A_2, %add3A_17 : i32
    "tpu.region"() ({
      %run_scoped3A = tpu.sem_alloc : memref<!tpu.dma_semaphore, #tpu.memory_space<semaphore_mem>>
      %dma_start3A_33 = tpu.memref_slice %arg3[%add3A_18] : memref<80896xi32, #tpu.memory_space<hbm>> -> memref<632xi32, #tpu.memory_space<hbm>>
      %dma_start3A_34 = tpu.memref_slice %arg3[%add3A_18] : memref<80896xi32, #tpu.memory_space<hbm>> -> memref<632xi32, #tpu.memory_space<hbm>>
      tpu.enqueue_dma source(%dma_start3A_34 : memref<632xi32, #tpu.memory_space<hbm>>) target(%arg5 : memref<632xi32, #tpu.memory_space<vmem>>) target_semaphore(%run_scoped3A : memref<!tpu.dma_semaphore, #tpu.memory_space<semaphore_mem>>)
      %dma_wait3A_35 = tpu.memref_slice %arg3[%add3A_18] : memref<80896xi32, #tpu.memory_space<hbm>> -> memref<632xi32, #tpu.memory_space<hbm>>
      %dma_wait3A_36 = tpu.memref_slice %arg3[%add3A_18] : memref<80896xi32, #tpu.memory_space<hbm>> -> memref<632xi32, #tpu.memory_space<hbm>>
      tpu.wait_dma2 semaphore(%run_scoped3A : memref<!tpu.dma_semaphore, #tpu.memory_space<semaphore_mem>>) src(%dma_wait3A_36 : memref<632xi32, #tpu.memory_space<hbm>>) dst(%arg5 : memref<632xi32, #tpu.memory_space<vmem>>)
      tpu.yield
    }) : () -> ()
    %dma_start3A_19 = arith.constant 0 : i32
    %dma_start3A_20 = arith.constant 0 : i32
    %dma_start3A_21 = tpu.memref_slice %arg2[%dma_start3A_19, %dma_start3A_20] : memref<10112x128xf32, #tpu.memory_space<hbm>> -> memref<10112x128xf32, #tpu.memory_space<hbm>>
    tpu.enqueue_indirect_dma source(%dma_start3A_21 : memref<10112x128xf32, #tpu.memory_space<hbm>>) target(%arg6 : memref<632x128xf32, #tpu.memory_space<vmem>>) offsets(%arg5 : memref<632xi32, #tpu.memory_space<vmem>>) semaphore(%arg7 : memref<!tpu.dma_semaphore, #tpu.memory_space<semaphore_mem>>)
    %dma_wait3A_22 = arith.constant 0 : i32
    %dma_wait3A_23 = arith.constant 0 : i32
    %dma_wait3A_24 = tpu.memref_slice %arg2[%dma_wait3A_22, %dma_wait3A_23] : memref<10112x128xf32, #tpu.memory_space<hbm>> -> memref<10112x128xf32, #tpu.memory_space<hbm>>
    tpu.wait_indirect_dma semaphore(%arg7 : memref<!tpu.dma_semaphore, #tpu.memory_space<semaphore_mem>>) src(%dma_wait3A_24 : memref<10112x128xf32, #tpu.memory_space<hbm>>) dst(%arg6 : memref<632x128xf32, #tpu.memory_space<vmem>>)
    "tpu.region"() ({
      %run_scoped3A = tpu.sem_alloc : memref<!tpu.dma_semaphore, #tpu.memory_space<semaphore_mem>>
      %dma_start3A_33 = arith.constant 0 : i32
      %dma_start3A_34 = tpu.memref_slice %arg4[%add3A_18, %dma_start3A_33] : memref<80896x128xf32, #tpu.memory_space<hbm>> -> memref<632x128xf32, #tpu.memory_space<hbm>>
      %dma_start3A_35 = arith.constant 0 : i32
      %dma_start3A_36 = tpu.memref_slice %arg4[%add3A_18, %dma_start3A_35] : memref<80896x128xf32, #tpu.memory_space<hbm>> -> memref<632x128xf32, #tpu.memory_space<hbm>>
      tpu.enqueue_dma source(%arg6 : memref<632x128xf32, #tpu.memory_space<vmem>>) target(%dma_start3A_36 : memref<632x128xf32, #tpu.memory_space<hbm>>) target_semaphore(%run_scoped3A : memref<!tpu.dma_semaphore, #tpu.memory_space<semaphore_mem>>)
      %dma_wait3A_37 = arith.constant 0 : i32
      %dma_wait3A_38 = tpu.memref_slice %arg4[%add3A_18, %dma_wait3A_37] : memref<80896x128xf32, #tpu.memory_space<hbm>> -> memref<632x128xf32, #tpu.memory_space<hbm>>
      %dma_wait3A_39 = arith.constant 0 : i32
      %dma_wait3A_40 = tpu.memref_slice %arg4[%add3A_18, %dma_wait3A_39] : memref<80896x128xf32, #tpu.memory_space<hbm>> -> memref<632x128xf32, #tpu.memory_space<hbm>>
      tpu.wait_dma2 semaphore(%run_scoped3A : memref<!tpu.dma_semaphore, #tpu.memory_space<semaphore_mem>>) src(%arg6 : memref<632x128xf32, #tpu.memory_space<vmem>>) dst(%dma_wait3A_40 : memref<632x128xf32, #tpu.memory_space<hbm>>)
      tpu.yield
    }) : () -> ()
    %add3A_25 = arith.constant 1896 : i32
    %add3A_26 = arith.addi %mul3A_2, %add3A_25 : i32
    "tpu.region"() ({
      %run_scoped3A = tpu.sem_alloc : memref<!tpu.dma_semaphore, #tpu.memory_space<semaphore_mem>>
      %dma_start3A_33 = tpu.memref_slice %arg3[%add3A_26] : memref<80896xi32, #tpu.memory_space<hbm>> -> memref<632xi32, #tpu.memory_space<hbm>>
      %dma_start3A_34 = tpu.memref_slice %arg3[%add3A_26] : memref<80896xi32, #tpu.memory_space<hbm>> -> memref<632xi32, #tpu.memory_space<hbm>>
      tpu.enqueue_dma source(%dma_start3A_34 : memref<632xi32, #tpu.memory_space<hbm>>) target(%arg5 : memref<632xi32, #tpu.memory_space<vmem>>) target_semaphore(%run_scoped3A : memref<!tpu.dma_semaphore, #tpu.memory_space<semaphore_mem>>)
      %dma_wait3A_35 = tpu.memref_slice %arg3[%add3A_26] : memref<80896xi32, #tpu.memory_space<hbm>> -> memref<632xi32, #tpu.memory_space<hbm>>
      %dma_wait3A_36 = tpu.memref_slice %arg3[%add3A_26] : memref<80896xi32, #tpu.memory_space<hbm>> -> memref<632xi32, #tpu.memory_space<hbm>>
      tpu.wait_dma2 semaphore(%run_scoped3A : memref<!tpu.dma_semaphore, #tpu.memory_space<semaphore_mem>>) src(%dma_wait3A_36 : memref<632xi32, #tpu.memory_space<hbm>>) dst(%arg5 : memref<632xi32, #tpu.memory_space<vmem>>)
      tpu.yield
    }) : () -> ()
    %dma_start3A_27 = arith.constant 0 : i32
    %dma_start3A_28 = arith.constant 0 : i32
    %dma_start3A_29 = tpu.memref_slice %arg2[%dma_start3A_27, %dma_start3A_28] : memref<10112x128xf32, #tpu.memory_space<hbm>> -> memref<10112x128xf32, #tpu.memory_space<hbm>>
    tpu.enqueue_indirect_dma source(%dma_start3A_29 : memref<10112x128xf32, #tpu.memory_space<hbm>>) target(%arg6 : memref<632x128xf32, #tpu.memory_space<vmem>>) offsets(%arg5 : memref<632xi32, #tpu.memory_space<vmem>>) semaphore(%arg7 : memref<!tpu.dma_semaphore, #tpu.memory_space<semaphore_mem>>)
    %dma_wait3A_30 = arith.constant 0 : i32
    %dma_wait3A_31 = arith.constant 0 : i32
    %dma_wait3A_32 = tpu.memref_slice %arg2[%dma_wait3A_30, %dma_wait3A_31] : memref<10112x128xf32, #tpu.memory_space<hbm>> -> memref<10112x128xf32, #tpu.memory_space<hbm>>
    tpu.wait_indirect_dma semaphore(%arg7 : memref<!tpu.dma_semaphore, #tpu.memory_space<semaphore_mem>>) src(%dma_wait3A_32 : memref<10112x128xf32, #tpu.memory_space<hbm>>) dst(%arg6 : memref<632x128xf32, #tpu.memory_space<vmem>>)
    "tpu.region"() ({
      %run_scoped3A = tpu.sem_alloc : memref<!tpu.dma_semaphore, #tpu.memory_space<semaphore_mem>>
      %dma_start3A_33 = arith.constant 0 : i32
      %dma_start3A_34 = tpu.memref_slice %arg4[%add3A_26, %dma_start3A_33] : memref<80896x128xf32, #tpu.memory_space<hbm>> -> memref<632x128xf32, #tpu.memory_space<hbm>>
      %dma_start3A_35 = arith.constant 0 : i32
      %dma_start3A_36 = tpu.memref_slice %arg4[%add3A_26, %dma_start3A_35] : memref<80896x128xf32, #tpu.memory_space<hbm>> -> memref<632x128xf32, #tpu.memory_space<hbm>>
      tpu.enqueue_dma source(%arg6 : memref<632x128xf32, #tpu.memory_space<vmem>>) target(%dma_start3A_36 : memref<632x128xf32, #tpu.memory_space<hbm>>) target_semaphore(%run_scoped3A : memref<!tpu.dma_semaphore, #tpu.memory_space<semaphore_mem>>)
      %dma_wait3A_37 = arith.constant 0 : i32
      %dma_wait3A_38 = tpu.memref_slice %arg4[%add3A_26, %dma_wait3A_37] : memref<80896x128xf32, #tpu.memory_space<hbm>> -> memref<632x128xf32, #tpu.memory_space<hbm>>
      %dma_wait3A_39 = arith.constant 0 : i32
      %dma_wait3A_40 = tpu.memref_slice %arg4[%add3A_26, %dma_wait3A_39] : memref<80896x128xf32, #tpu.memory_space<hbm>> -> memref<632x128xf32, #tpu.memory_space<hbm>>
      tpu.wait_dma2 semaphore(%run_scoped3A : memref<!tpu.dma_semaphore, #tpu.memory_space<semaphore_mem>>) src(%arg6 : memref<632x128xf32, #tpu.memory_space<vmem>>) dst(%dma_wait3A_40 : memref<632x128xf32, #tpu.memory_space<hbm>>)
      tpu.yield
    }) : () -> ()
    return
  }
}

#map = affine_map<(d0, d1) -> (0, 0)>
#map1 = affine_map<(d0, d1) -> (0)>
module attributes {stable_mosaic.version = 14 : i64} {
  func.func @k(%arg0: i32, %arg1: i32, %arg2: memref<10112x128xf32, #tpu.memory_space<hbm>>, %arg3: memref<80896xi32, #tpu.memory_space<hbm>>, %arg4: memref<80896x128xf32, #tpu.memory_space<hbm>>, %arg5: memref<632xi32, #tpu.memory_space<vmem>>, %arg6: memref<632x128xf32, #tpu.memory_space<vmem>>, %arg7: memref<!tpu.dma_semaphore, #tpu.memory_space<semaphore_mem>>) attributes {dimension_semantics = [#tpu.dimension_semantics<core_parallel>, #tpu.dimension_semantics<subcore_parallel>], iteration_bounds = array<i64: 2, 16>, scalar_prefetch = 0 : i64, scratch_operands = 3 : i64, tpu.core_type = #tpu.core_type<sc_vector_subcore>, window_params = [{transform_indices = #map}, {transform_indices = #map1}, {transform_indices = #map}]} {
    %mul3A = arith.constant 2 : i32
    %mul3A_0 = arith.muli %arg1, %mul3A : i32
    %add3A = arith.addi %mul3A_0, %arg0 : i32
    %mul3A_1 = arith.constant 2528 : i32
    %mul3A_2 = arith.muli %add3A, %mul3A_1 : i32
    %add3A_3 = arith.constant 0 : i32
    %add3A_4 = arith.addi %mul3A_2, %add3A_3 : i32
    "tpu.region"() ({
      %run_scoped3A = tpu.sem_alloc : memref<!tpu.dma_semaphore, #tpu.memory_space<semaphore_mem>>
      %dma_start3A_33 = tpu.memref_slice %arg3[%add3A_4] : memref<80896xi32, #tpu.memory_space<hbm>> -> memref<632xi32, #tpu.memory_space<hbm>>
      %dma_start3A_34 = tpu.memref_slice %arg3[%add3A_4] : memref<80896xi32, #tpu.memory_space<hbm>> -> memref<632xi32, #tpu.memory_space<hbm>>
      tpu.enqueue_dma source(%dma_start3A_34 : memref<632xi32, #tpu.memory_space<hbm>>) target(%arg5 : memref<632xi32, #tpu.memory_space<vmem>>) target_semaphore(%run_scoped3A : memref<!tpu.dma_semaphore, #tpu.memory_space<semaphore_mem>>)
      %dma_wait3A_35 = tpu.memref_slice %arg3[%add3A_4] : memref<80896xi32, #tpu.memory_space<hbm>> -> memref<632xi32, #tpu.memory_space<hbm>>
      %dma_wait3A_36 = tpu.memref_slice %arg3[%add3A_4] : memref<80896xi32, #tpu.memory_space<hbm>> -> memref<632xi32, #tpu.memory_space<hbm>>
      tpu.wait_dma2 semaphore(%run_scoped3A : memref<!tpu.dma_semaphore, #tpu.memory_space<semaphore_mem>>) src(%dma_wait3A_36 : memref<632xi32, #tpu.memory_space<hbm>>) dst(%arg5 : memref<632xi32, #tpu.memory_space<vmem>>)
      tpu.yield
    }) : () -> ()
    %dma_start3A = arith.constant 0 : i32
    %dma_start3A_5 = arith.constant 0 : i32
    %dma_start3A_6 = tpu.memref_slice %arg2[%dma_start3A, %dma_start3A_5] : memref<10112x128xf32, #tpu.memory_space<hbm>> -> memref<10112x128xf32, #tpu.memory_space<hbm>>
    tpu.enqueue_indirect_dma source(%dma_start3A_6 : memref<10112x128xf32, #tpu.memory_space<hbm>>) target(%arg6 : memref<632x128xf32, #tpu.memory_space<vmem>>) offsets(%arg5 : memref<632xi32, #tpu.memory_space<vmem>>) semaphore(%arg7 : memref<!tpu.dma_semaphore, #tpu.memory_space<semaphore_mem>>)
    %dma_wait3A = arith.constant 0 : i32
    %dma_wait3A_7 = arith.constant 0 : i32
    %dma_wait3A_8 = tpu.memref_slice %arg2[%dma_wait3A, %dma_wait3A_7] : memref<10112x128xf32, #tpu.memory_space<hbm>> -> memref<10112x128xf32, #tpu.memory_space<hbm>>
    tpu.wait_indirect_dma semaphore(%arg7 : memref<!tpu.dma_semaphore, #tpu.memory_space<semaphore_mem>>) src(%dma_wait3A_8 : memref<10112x128xf32, #tpu.memory_space<hbm>>) dst(%arg6 : memref<632x128xf32, #tpu.memory_space<vmem>>)
    "tpu.region"() ({
      %run_scoped3A = tpu.sem_alloc : memref<!tpu.dma_semaphore, #tpu.memory_space<semaphore_mem>>
      %dma_start3A_33 = arith.constant 0 : i32
      %dma_start3A_34 = tpu.memref_slice %arg4[%add3A_4, %dma_start3A_33] : memref<80896x128xf32, #tpu.memory_space<hbm>> -> memref<632x128xf32, #tpu.memory_space<hbm>>
      %dma_start3A_35 = arith.constant 0 : i32
      %dma_start3A_36 = tpu.memref_slice %arg4[%add3A_4, %dma_start3A_35] : memref<80896x128xf32, #tpu.memory_space<hbm>> -> memref<632x128xf32, #tpu.memory_space<hbm>>
      tpu.enqueue_dma source(%arg6 : memref<632x128xf32, #tpu.memory_space<vmem>>) target(%dma_start3A_36 : memref<632x128xf32, #tpu.memory_space<hbm>>) target_semaphore(%run_scoped3A : memref<!tpu.dma_semaphore, #tpu.memory_space<semaphore_mem>>)
      %dma_wait3A_37 = arith.constant 0 : i32
      %dma_wait3A_38 = tpu.memref_slice %arg4[%add3A_4, %dma_wait3A_37] : memref<80896x128xf32, #tpu.memory_space<hbm>> -> memref<632x128xf32, #tpu.memory_space<hbm>>
      %dma_wait3A_39 = arith.constant 0 : i32
      %dma_wait3A_40 = tpu.memref_slice %arg4[%add3A_4, %dma_wait3A_39] : memref<80896x128xf32, #tpu.memory_space<hbm>> -> memref<632x128xf32, #tpu.memory_space<hbm>>
      tpu.wait_dma2 semaphore(%run_scoped3A : memref<!tpu.dma_semaphore, #tpu.memory_space<semaphore_mem>>) src(%arg6 : memref<632x128xf32, #tpu.memory_space<vmem>>) dst(%dma_wait3A_40 : memref<632x128xf32, #tpu.memory_space<hbm>>)
      tpu.yield
    }) : () -> ()
    %add3A_9 = arith.constant 632 : i32
    %add3A_10 = arith.addi %mul3A_2, %add3A_9 : i32
    "tpu.region"() ({
      %run_scoped3A = tpu.sem_alloc : memref<!tpu.dma_semaphore, #tpu.memory_space<semaphore_mem>>
      %dma_start3A_33 = tpu.memref_slice %arg3[%add3A_10] : memref<80896xi32, #tpu.memory_space<hbm>> -> memref<632xi32, #tpu.memory_space<hbm>>
      %dma_start3A_34 = tpu.memref_slice %arg3[%add3A_10] : memref<80896xi32, #tpu.memory_space<hbm>> -> memref<632xi32, #tpu.memory_space<hbm>>
      tpu.enqueue_dma source(%dma_start3A_34 : memref<632xi32, #tpu.memory_space<hbm>>) target(%arg5 : memref<632xi32, #tpu.memory_space<vmem>>) target_semaphore(%run_scoped3A : memref<!tpu.dma_semaphore, #tpu.memory_space<semaphore_mem>>)
      %dma_wait3A_35 = tpu.memref_slice %arg3[%add3A_10] : memref<80896xi32, #tpu.memory_space<hbm>> -> memref<632xi32, #tpu.memory_space<hbm>>
      %dma_wait3A_36 = tpu.memref_slice %arg3[%add3A_10] : memref<80896xi32, #tpu.memory_space<hbm>> -> memref<632xi32, #tpu.memory_space<hbm>>
      tpu.wait_dma2 semaphore(%run_scoped3A : memref<!tpu.dma_semaphore, #tpu.memory_space<semaphore_mem>>) src(%dma_wait3A_36 : memref<632xi32, #tpu.memory_space<hbm>>) dst(%arg5 : memref<632xi32, #tpu.memory_space<vmem>>)
      tpu.yield
    }) : () -> ()
    %dma_start3A_11 = arith.constant 0 : i32
    %dma_start3A_12 = arith.constant 0 : i32
    %dma_start3A_13 = tpu.memref_slice %arg2[%dma_start3A_11, %dma_start3A_12] : memref<10112x128xf32, #tpu.memory_space<hbm>> -> memref<10112x128xf32, #tpu.memory_space<hbm>>
    tpu.enqueue_indirect_dma source(%dma_start3A_13 : memref<10112x128xf32, #tpu.memory_space<hbm>>) target(%arg6 : memref<632x128xf32, #tpu.memory_space<vmem>>) offsets(%arg5 : memref<632xi32, #tpu.memory_space<vmem>>) semaphore(%arg7 : memref<!tpu.dma_semaphore, #tpu.memory_space<semaphore_mem>>)
    %dma_wait3A_14 = arith.constant 0 : i32
    %dma_wait3A_15 = arith.constant 0 : i32
    %dma_wait3A_16 = tpu.memref_slice %arg2[%dma_wait3A_14, %dma_wait3A_15] : memref<10112x128xf32, #tpu.memory_space<hbm>> -> memref<10112x128xf32, #tpu.memory_space<hbm>>
    tpu.wait_indirect_dma semaphore(%arg7 : memref<!tpu.dma_semaphore, #tpu.memory_space<semaphore_mem>>) src(%dma_wait3A_16 : memref<10112x128xf32, #tpu.memory_space<hbm>>) dst(%arg6 : memref<632x128xf32, #tpu.memory_space<vmem>>)
    "tpu.region"() ({
      %run_scoped3A = tpu.sem_alloc : memref<!tpu.dma_semaphore, #tpu.memory_space<semaphore_mem>>
      %dma_start3A_33 = arith.constant 0 : i32
      %dma_start3A_34 = tpu.memref_slice %arg4[%add3A_10, %dma_start3A_33] : memref<80896x128xf32, #tpu.memory_space<hbm>> -> memref<632x128xf32, #tpu.memory_space<hbm>>
      %dma_start3A_35 = arith.constant 0 : i32
      %dma_start3A_36 = tpu.memref_slice %arg4[%add3A_10, %dma_start3A_35] : memref<80896x128xf32, #tpu.memory_space<hbm>> -> memref<632x128xf32, #tpu.memory_space<hbm>>
      tpu.enqueue_dma source(%arg6 : memref<632x128xf32, #tpu.memory_space<vmem>>) target(%dma_start3A_36 : memref<632x128xf32, #tpu.memory_space<hbm>>) target_semaphore(%run_scoped3A : memref<!tpu.dma_semaphore, #tpu.memory_space<semaphore_mem>>)
      %dma_wait3A_37 = arith.constant 0 : i32
      %dma_wait3A_38 = tpu.memref_slice %arg4[%add3A_10, %dma_wait3A_37] : memref<80896x128xf32, #tpu.memory_space<hbm>> -> memref<632x128xf32, #tpu.memory_space<hbm>>
      %dma_wait3A_39 = arith.constant 0 : i32
      %dma_wait3A_40 = tpu.memref_slice %arg4[%add3A_10, %dma_wait3A_39] : memref<80896x128xf32, #tpu.memory_space<hbm>> -> memref<632x128xf32, #tpu.memory_space<hbm>>
      tpu.wait_dma2 semaphore(%run_scoped3A : memref<!tpu.dma_semaphore, #tpu.memory_space<semaphore_mem>>) src(%arg6 : memref<632x128xf32, #tpu.memory_space<vmem>>) dst(%dma_wait3A_40 : memref<632x128xf32, #tpu.memory_space<hbm>>)
      tpu.yield
    }) : () -> ()
    %add3A_17 = arith.constant 1264 : i32
    %add3A_18 = arith.addi %mul3A_2, %add3A_17 : i32
    "tpu.region"() ({
      %run_scoped3A = tpu.sem_alloc : memref<!tpu.dma_semaphore, #tpu.memory_space<semaphore_mem>>
      %dma_start3A_33 = tpu.memref_slice %arg3[%add3A_18] : memref<80896xi32, #tpu.memory_space<hbm>> -> memref<632xi32, #tpu.memory_space<hbm>>
      %dma_start3A_34 = tpu.memref_slice %arg3[%add3A_18] : memref<80896xi32, #tpu.memory_space<hbm>> -> memref<632xi32, #tpu.memory_space<hbm>>
      tpu.enqueue_dma source(%dma_start3A_34 : memref<632xi32, #tpu.memory_space<hbm>>) target(%arg5 : memref<632xi32, #tpu.memory_space<vmem>>) target_semaphore(%run_scoped3A : memref<!tpu.dma_semaphore, #tpu.memory_space<semaphore_mem>>)
      %dma_wait3A_35 = tpu.memref_slice %arg3[%add3A_18] : memref<80896xi32, #tpu.memory_space<hbm>> -> memref<632xi32, #tpu.memory_space<hbm>>
      %dma_wait3A_36 = tpu.memref_slice %arg3[%add3A_18] : memref<80896xi32, #tpu.memory_space<hbm>> -> memref<632xi32, #tpu.memory_space<hbm>>
      tpu.wait_dma2 semaphore(%run_scoped3A : memref<!tpu.dma_semaphore, #tpu.memory_space<semaphore_mem>>) src(%dma_wait3A_36 : memref<632xi32, #tpu.memory_space<hbm>>) dst(%arg5 : memref<632xi32, #tpu.memory_space<vmem>>)
      tpu.yield
    }) : () -> ()
    %dma_start3A_19 = arith.constant 0 : i32
    %dma_start3A_20 = arith.constant 0 : i32
    %dma_start3A_21 = tpu.memref_slice %arg2[%dma_start3A_19, %dma_start3A_20] : memref<10112x128xf32, #tpu.memory_space<hbm>> -> memref<10112x128xf32, #tpu.memory_space<hbm>>
    tpu.enqueue_indirect_dma source(%dma_start3A_21 : memref<10112x128xf32, #tpu.memory_space<hbm>>) target(%arg6 : memref<632x128xf32, #tpu.memory_space<vmem>>) offsets(%arg5 : memref<632xi32, #tpu.memory_space<vmem>>) semaphore(%arg7 : memref<!tpu.dma_semaphore, #tpu.memory_space<semaphore_mem>>)
    %dma_wait3A_22 = arith.constant 0 : i32
    %dma_wait3A_23 = arith.constant 0 : i32
    %dma_wait3A_24 = tpu.memref_slice %arg2[%dma_wait3A_22, %dma_wait3A_23] : memref<10112x128xf32, #tpu.memory_space<hbm>> -> memref<10112x128xf32, #tpu.memory_space<hbm>>
    tpu.wait_indirect_dma semaphore(%arg7 : memref<!tpu.dma_semaphore, #tpu.memory_space<semaphore_mem>>) src(%dma_wait3A_24 : memref<10112x128xf32, #tpu.memory_space<hbm>>) dst(%arg6 : memref<632x128xf32, #tpu.memory_space<vmem>>)
    "tpu.region"() ({
      %run_scoped3A = tpu.sem_alloc : memref<!tpu.dma_semaphore, #tpu.memory_space<semaphore_mem>>
      %dma_start3A_33 = arith.constant 0 : i32
      %dma_start3A_34 = tpu.memref_slice %arg4[%add3A_18, %dma_start3A_33] : memref<80896x128xf32, #tpu.memory_space<hbm>> -> memref<632x128xf32, #tpu.memory_space<hbm>>
      %dma_start3A_35 = arith.constant 0 : i32
      %dma_start3A_36 = tpu.memref_slice %arg4[%add3A_18, %dma_start3A_35] : memref<80896x128xf32, #tpu.memory_space<hbm>> -> memref<632x128xf32, #tpu.memory_space<hbm>>
      tpu.enqueue_dma source(%arg6 : memref<632x128xf32, #tpu.memory_space<vmem>>) target(%dma_start3A_36 : memref<632x128xf32, #tpu.memory_space<hbm>>) target_semaphore(%run_scoped3A : memref<!tpu.dma_semaphore, #tpu.memory_space<semaphore_mem>>)
      %dma_wait3A_37 = arith.constant 0 : i32
      %dma_wait3A_38 = tpu.memref_slice %arg4[%add3A_18, %dma_wait3A_37] : memref<80896x128xf32, #tpu.memory_space<hbm>> -> memref<632x128xf32, #tpu.memory_space<hbm>>
      %dma_wait3A_39 = arith.constant 0 : i32
      %dma_wait3A_40 = tpu.memref_slice %arg4[%add3A_18, %dma_wait3A_39] : memref<80896x128xf32, #tpu.memory_space<hbm>> -> memref<632x128xf32, #tpu.memory_space<hbm>>
      tpu.wait_dma2 semaphore(%run_scoped3A : memref<!tpu.dma_semaphore, #tpu.memory_space<semaphore_mem>>) src(%arg6 : memref<632x128xf32, #tpu.memory_space<vmem>>) dst(%dma_wait3A_40 : memref<632x128xf32, #tpu.memory_space<hbm>>)
      tpu.yield
    }) : () -> ()
    %add3A_25 = arith.constant 1896 : i32
    %add3A_26 = arith.addi %mul3A_2, %add3A_25 : i32
    "tpu.region"() ({
      %run_scoped3A = tpu.sem_alloc : memref<!tpu.dma_semaphore, #tpu.memory_space<semaphore_mem>>
      %dma_start3A_33 = tpu.memref_slice %arg3[%add3A_26] : memref<80896xi32, #tpu.memory_space<hbm>> -> memref<632xi32, #tpu.memory_space<hbm>>
      %dma_start3A_34 = tpu.memref_slice %arg3[%add3A_26] : memref<80896xi32, #tpu.memory_space<hbm>> -> memref<632xi32, #tpu.memory_space<hbm>>
      tpu.enqueue_dma source(%dma_start3A_34 : memref<632xi32, #tpu.memory_space<hbm>>) target(%arg5 : memref<632xi32, #tpu.memory_space<vmem>>) target_semaphore(%run_scoped3A : memref<!tpu.dma_semaphore, #tpu.memory_space<semaphore_mem>>)
      %dma_wait3A_35 = tpu.memref_slice %arg3[%add3A_26] : memref<80896xi32, #tpu.memory_space<hbm>> -> memref<632xi32, #tpu.memory_space<hbm>>
      %dma_wait3A_36 = tpu.memref_slice %arg3[%add3A_26] : memref<80896xi32, #tpu.memory_space<hbm>> -> memref<632xi32, #tpu.memory_space<hbm>>
      tpu.wait_dma2 semaphore(%run_scoped3A : memref<!tpu.dma_semaphore, #tpu.memory_space<semaphore_mem>>) src(%dma_wait3A_36 : memref<632xi32, #tpu.memory_space<hbm>>) dst(%arg5 : memref<632xi32, #tpu.memory_space<vmem>>)
      tpu.yield
    }) : () -> ()
    %dma_start3A_27 = arith.constant 0 : i32
    %dma_start3A_28 = arith.constant 0 : i32
    %dma_start3A_29 = tpu.memref_slice %arg2[%dma_start3A_27, %dma_start3A_28] : memref<10112x128xf32, #tpu.memory_space<hbm>> -> memref<10112x128xf32, #tpu.memory_space<hbm>>
    tpu.enqueue_indirect_dma source(%dma_start3A_29 : memref<10112x128xf32, #tpu.memory_space<hbm>>) target(%arg6 : memref<632x128xf32, #tpu.memory_space<vmem>>) offsets(%arg5 : memref<632xi32, #tpu.memory_space<vmem>>) semaphore(%arg7 : memref<!tpu.dma_semaphore, #tpu.memory_space<semaphore_mem>>)
    %dma_wait3A_30 = arith.constant 0 : i32
    %dma_wait3A_31 = arith.constant 0 : i32
    %dma_wait3A_32 = tpu.memref_slice %arg2[%dma_wait3A_30, %dma_wait3A_31] : memref<10112x128xf32, #tpu.memory_space<hbm>> -> memref<10112x128xf32, #tpu.memory_space<hbm>>
    tpu.wait_indirect_dma semaphore(%arg7 : memref<!tpu.dma_semaphore, #tpu.memory_space<semaphore_mem>>) src(%dma_wait3A_32 : memref<10112x128xf32, #tpu.memory_space<hbm>>) dst(%arg6 : memref<632x128xf32, #tpu.memory_space<vmem>>)
    "tpu.region"() ({
      %run_scoped3A = tpu.sem_alloc : memref<!tpu.dma_semaphore, #tpu.memory_space<semaphore_mem>>
      %dma_start3A_33 = arith.constant 0 : i32
      %dma_start3A_34 = tpu.memref_slice %arg4[%add3A_26, %dma_start3A_33] : memref<80896x128xf32, #tpu.memory_space<hbm>> -> memref<632x128xf32, #tpu.memory_space<hbm>>
      %dma_start3A_35 = arith.constant 0 : i32
      %dma_start3A_36 = tpu.memref_slice %arg4[%add3A_26, %dma_start3A_35] : memref<80896x128xf32, #tpu.memory_space<hbm>> -> memref<632x128xf32, #tpu.memory_space<hbm>>
      tpu.enqueue_dma source(%arg6 : memref<632x128xf32, #tpu.memory_space<vmem>>) target(%dma_start3A_36 : memref<632x128xf32, #tpu.memory_space<hbm>>) target_semaphore(%run_scoped3A : memref<!tpu.dma_semaphore, #tpu.memory_space<semaphore_mem>>)
      %dma_wait3A_37 = arith.constant 0 : i32
      %dma_wait3A_38 = tpu.memref_slice %arg4[%add3A_26, %dma_wait3A_37] : memref<80896x128xf32, #tpu.memory_space<hbm>> -> memref<632x128xf32, #tpu.memory_space<hbm>>
      %dma_wait3A_39 = arith.constant 0 : i32
      %dma_wait3A_40 = tpu.memref_slice %arg4[%add3A_26, %dma_wait3A_39] : memref<80896x128xf32, #tpu.memory_space<hbm>> -> memref<632x128xf32, #tpu.memory_space<hbm>>
      tpu.wait_dma2 semaphore(%run_scoped3A : memref<!tpu.dma_semaphore, #tpu.memory_space<semaphore_mem>>) src(%arg6 : memref<632x128xf32, #tpu.memory_space<vmem>>) dst(%dma_wait3A_40 : memref<632x128xf32, #tpu.memory_space<hbm>>)
      tpu.yield
    }) : () -> ()
    return
  }
}

module attributes {stable_mosaic.version = 14 : i64} {
  func.func @_knn_body(%arg0: i32, %arg1: i32, %arg2: memref<256x128xf32, #tpu.memory_space<vmem>>, %arg3: memref<1024x128xf32, #tpu.memory_space<vmem>>, %arg4: memref<256x8xf32, #tpu.memory_space<vmem>>, %arg5: memref<8x1024xf32, #tpu.memory_space<vmem>>, %arg6: memref<256x8xf32, #tpu.memory_space<vmem>>, %arg7: memref<8x1024xf32, #tpu.memory_space<vmem>>, %arg8: memref<256x8xi32, #tpu.memory_space<vmem>>, %arg9: memref<256x8xf32, #tpu.memory_space<vmem>>, %arg10: memref<256x8xf32, #tpu.memory_space<vmem>>) attributes {dimension_semantics = [#tpu.dimension_semantics<arbitrary>, #tpu.dimension_semantics<arbitrary>], iteration_bounds = array<i64: 40, 10>, scalar_prefetch = 0 : i64, scratch_operands = 2 : i64, tpu.core_type = #tpu.core_type<tc>, window_params = [{transform_indices = @transform_0, window_bounds = array<i64: 256, 128>}, {transform_indices = @transform_1, window_bounds = array<i64: 1024, 128>}, {transform_indices = @transform_2, window_bounds = array<i64: 256, 8>}, {transform_indices = @transform_3, window_bounds = array<i64: 8, 1024>}, {transform_indices = @transform_4, window_bounds = array<i64: 256, 8>}, {transform_indices = @transform_5, window_bounds = array<i64: 8, 1024>}, {transform_indices = @transform_6, window_bounds = array<i64: 256, 8>}]} {
    %eq3A = arith.constant 0 : i32
    %eq3A_0 = arith.cmpi eq, %arg1, %eq3A : i32
    %convert_element_type3A = arith.extui %eq3A_0 : i1 to i32
    %cond3A = arith.constant 0 : i32
    %cond3A_1 = arith.cmpi ne, %convert_element_type3A, %cond3A : i32
    scf.if %cond3A_1 {
      %broadcast_in_dim3A_310 = arith.constant 0x7F800000 : f32
      %broadcast_in_dim3A_311 = vector.broadcast %broadcast_in_dim3A_310 : f32 to vector<256x8xf32>
      %swap3A_312 = arith.constant 0 : index
      %swap3A_313 = arith.constant 0 : index
      %swap3A_314 = vector.load %arg9[%swap3A_312, %swap3A_313] : memref<256x8xf32, #tpu.memory_space<vmem>>, vector<256x8xf32>
      tpu.vector_store %arg9[%swap3A_312, %swap3A_313], %broadcast_in_dim3A_311 {strides = array<i32>} : memref<256x8xf32, #tpu.memory_space<vmem>>, vector<256x8xf32>,
      %broadcast_in_dim3A_315 = arith.constant 2.000000e+09 : f32
      %broadcast_in_dim3A_316 = vector.broadcast %broadcast_in_dim3A_315 : f32 to vector<256x8xf32>
      %swap3A_317 = arith.constant 0 : index
      %swap3A_318 = arith.constant 0 : index
      %swap3A_319 = vector.load %arg10[%swap3A_317, %swap3A_318] : memref<256x8xf32, #tpu.memory_space<vmem>>, vector<256x8xf32>
      tpu.vector_store %arg10[%swap3A_317, %swap3A_318], %broadcast_in_dim3A_316 {strides = array<i32>} : memref<256x8xf32, #tpu.memory_space<vmem>>, vector<256x8xf32>,
    } else {
    }
    %get3A = arith.constant 0 : index
    %get3A_2 = arith.constant 0 : index
    %get3A_3 = vector.load %arg2[%get3A, %get3A_2] : memref<256x128xf32, #tpu.memory_space<vmem>>, vector<256x128xf32>
    %get3A_4 = arith.constant 0 : index
    %get3A_5 = arith.constant 0 : index
    %get3A_6 = vector.load %arg3[%get3A_4, %get3A_5] : memref<1024x128xf32, #tpu.memory_space<vmem>>, vector<1024x128xf32>
    %dot_general3A = arith.constant dense<0.000000e+00> : vector<256x1024xf32>
    %dot_general3A_7 = tpu.matmul %get3A_3, %get3A_6, %dot_general3A {dimension_numbers = #tpu.dot_dimension_numbers<[1], [1], [0], [0], [0, 0, 1, 0], [], []>, transpose_lhs_hint = false} : vector<256x128xf32>, vector<1024x128xf32>, vector<256x1024xf32> -> vector<256x1024xf32>
    %get3A_8 = arith.constant 0 : index
    %get3A_9 = arith.constant 0 : index
    %get3A_10 = vector.load %arg4[%get3A_8, %get3A_9] : memref<256x8xf32, #tpu.memory_space<vmem>>, vector<256x8xf32>
    %slice3A = vector.extract_strided_slice %get3A_10 {offsets = [0, 0], sizes = [256, 1], strides = [1, 1]} : vector<256x8xf32> to vector<256x1xf32>
    %get3A_11 = arith.constant 0 : index
    %get3A_12 = arith.constant 0 : index
    %get3A_13 = vector.load %arg5[%get3A_11, %get3A_12] : memref<8x1024xf32, #tpu.memory_space<vmem>>, vector<8x1024xf32>
    %slice3A_14 = vector.extract_strided_slice %get3A_13 {offsets = [0, 0], sizes = [1, 1024], strides = [1, 1]} : vector<8x1024xf32> to vector<1x1024xf32>
    %mul3A = arith.constant 2.000000e+00 : f32
    %mul3A_15 = vector.broadcast %mul3A : f32 to vector<256x1024xf32>
    %mul3A_16 = arith.mulf %mul3A_15, %dot_general3A_7 : vector<256x1024xf32>
    %sub3A = vector.broadcast %slice3A : vector<256x1xf32> to vector<256x1024xf32>
    %sub3A_17 = arith.subf %sub3A, %mul3A_16 : vector<256x1024xf32>
    %add3A = vector.broadcast %slice3A_14 : vector<1x1024xf32> to vector<256x1024xf32>
    %add3A_18 = arith.addf %sub3A_17, %add3A : vector<256x1024xf32>
    %get3A_19 = arith.constant 0 : index
    %get3A_20 = arith.constant 0 : index
    %get3A_21 = vector.load %arg7[%get3A_19, %get3A_20] : memref<8x1024xf32, #tpu.memory_space<vmem>>, vector<8x1024xf32>
    %slice3A_22 = vector.extract_strided_slice %get3A_21 {offsets = [0, 0], sizes = [1, 1024], strides = [1, 1]} : vector<8x1024xf32> to vector<1x1024xf32>
    %get3A_23 = arith.constant 0 : index
    %get3A_24 = arith.constant 0 : index
    %get3A_25 = vector.load %arg6[%get3A_23, %get3A_24] : memref<256x8xf32, #tpu.memory_space<vmem>>, vector<256x8xf32>
    %slice3A_26 = vector.extract_strided_slice %get3A_25 {offsets = [0, 0], sizes = [256, 1], strides = [1, 1]} : vector<256x8xf32> to vector<256x1xf32>
    %eq3A_27 = vector.broadcast %slice3A_22 : vector<1x1024xf32> to vector<256x1024xf32>
    %eq3A_28 = vector.broadcast %slice3A_26 : vector<256x1xf32> to vector<256x1024xf32>
    %eq3A_29 = arith.cmpf oeq, %eq3A_27, %eq3A_28 : vector<256x1024xf32>
    %jit3A = arith.constant 0x7F800000 : f32
    %broadcast_in_dim3A = vector.broadcast %jit3A : f32 to vector<256x1024xf32>
    %select_n3A = arith.select %eq3A_29, %broadcast_in_dim3A, %add3A_18 : vector<256x1024xi1>, vector<256x1024xf32>
    %reduce_min3A = arith.constant dense<0x7F800000> : vector<256xf32>
    %reduce_min3A_30 = vector.multi_reduction <minimumf>, %select_n3A, %reduce_min3A [1] : vector<256x1024xf32> to vector<256xf32>
    %broadcast_in_dim3A_31 = vector.shape_cast %reduce_min3A_30 : vector<256xf32> to vector<256x1xf32>
    %eq3A_32 = vector.broadcast %broadcast_in_dim3A_31 : vector<256x1xf32> to vector<256x1024xf32>
    %eq3A_33 = arith.cmpf oeq, %select_n3A, %eq3A_32 : vector<256x1024xf32>
    %jit3A_34 = arith.constant 2.000000e+09 : f32
    %broadcast_in_dim3A_35 = vector.shape_cast %slice3A_22 : vector<1x1024xf32> to vector<1x1024xf32>
    %broadcast_in_dim3A_36 = vector.broadcast %broadcast_in_dim3A_35 : vector<1x1024xf32> to vector<256x1024xf32>
    %broadcast_in_dim3A_37 = vector.broadcast %jit3A_34 : f32 to vector<256x1024xf32>
    %select_n3A_38 = arith.select %eq3A_33, %broadcast_in_dim3A_36, %broadcast_in_dim3A_37 : vector<256x1024xi1>, vector<256x1024xf32>
    %reduce_min3A_39 = arith.constant dense<0x7F800000> : vector<256xf32>
    %reduce_min3A_40 = vector.multi_reduction <minimumf>, %select_n3A_38, %reduce_min3A_39 [1] : vector<256x1024xf32> to vector<256xf32>
    %broadcast_in_dim3A_41 = vector.shape_cast %reduce_min3A_40 : vector<256xf32> to vector<256x1xf32>
    %eq3A_42 = vector.broadcast %broadcast_in_dim3A_41 : vector<256x1xf32> to vector<256x1024xf32>
    %eq3A_43 = arith.cmpf oeq, %select_n3A_38, %eq3A_42 : vector<256x1024xf32>
    %jit3A_44 = arith.constant 0x7F800000 : f32
    %broadcast_in_dim3A_45 = vector.broadcast %jit3A_44 : f32 to vector<256x1024xf32>
    %select_n3A_46 = arith.select %eq3A_43, %broadcast_in_dim3A_45, %select_n3A : vector<256x1024xi1>, vector<256x1024xf32>
    %reduce_min3A_47 = arith.constant dense<0x7F800000> : vector<256xf32>
    %reduce_min3A_48 = vector.multi_reduction <minimumf>, %select_n3A_46, %reduce_min3A_47 [1] : vector<256x1024xf32> to vector<256xf32>
    %broadcast_in_dim3A_49 = vector.shape_cast %reduce_min3A_48 : vector<256xf32> to vector<256x1xf32>
    %eq3A_50 = vector.broadcast %broadcast_in_dim3A_49 : vector<256x1xf32> to vector<256x1024xf32>
    %eq3A_51 = arith.cmpf oeq, %select_n3A_46, %eq3A_50 : vector<256x1024xf32>
    %jit3A_52 = arith.constant 2.000000e+09 : f32
    %broadcast_in_dim3A_53 = vector.shape_cast %slice3A_22 : vector<1x1024xf32> to vector<1x1024xf32>
    %broadcast_in_dim3A_54 = vector.broadcast %broadcast_in_dim3A_53 : vector<1x1024xf32> to vector<256x1024xf32>
    %broadcast_in_dim3A_55 = vector.broadcast %jit3A_52 : f32 to vector<256x1024xf32>
    %select_n3A_56 = arith.select %eq3A_51, %broadcast_in_dim3A_54, %broadcast_in_dim3A_55 : vector<256x1024xi1>, vector<256x1024xf32>
    %reduce_min3A_57 = arith.constant dense<0x7F800000> : vector<256xf32>
    %reduce_min3A_58 = vector.multi_reduction <minimumf>, %select_n3A_56, %reduce_min3A_57 [1] : vector<256x1024xf32> to vector<256xf32>
    %broadcast_in_dim3A_59 = vector.shape_cast %reduce_min3A_58 : vector<256xf32> to vector<256x1xf32>
    %eq3A_60 = vector.broadcast %broadcast_in_dim3A_59 : vector<256x1xf32> to vector<256x1024xf32>
    %eq3A_61 = arith.cmpf oeq, %select_n3A_56, %eq3A_60 : vector<256x1024xf32>
    %jit3A_62 = arith.constant 0x7F800000 : f32
    %broadcast_in_dim3A_63 = vector.broadcast %jit3A_62 : f32 to vector<256x1024xf32>
    %select_n3A_64 = arith.select %eq3A_61, %broadcast_in_dim3A_63, %select_n3A_46 : vector<256x1024xi1>, vector<256x1024xf32>
    %reduce_min3A_65 = arith.constant dense<0x7F800000> : vector<256xf32>
    %reduce_min3A_66 = vector.multi_reduction <minimumf>, %select_n3A_64, %reduce_min3A_65 [1] : vector<256x1024xf32> to vector<256xf32>
    %broadcast_in_dim3A_67 = vector.shape_cast %reduce_min3A_66 : vector<256xf32> to vector<256x1xf32>
    %eq3A_68 = vector.broadcast %broadcast_in_dim3A_67 : vector<256x1xf32> to vector<256x1024xf32>
    %eq3A_69 = arith.cmpf oeq, %select_n3A_64, %eq3A_68 : vector<256x1024xf32>
    %jit3A_70 = arith.constant 2.000000e+09 : f32
    %broadcast_in_dim3A_71 = vector.shape_cast %slice3A_22 : vector<1x1024xf32> to vector<1x1024xf32>
    %broadcast_in_dim3A_72 = vector.broadcast %broadcast_in_dim3A_71 : vector<1x1024xf32> to vector<256x1024xf32>
    %broadcast_in_dim3A_73 = vector.broadcast %jit3A_70 : f32 to vector<256x1024xf32>
    %select_n3A_74 = arith.select %eq3A_69, %broadcast_in_dim3A_72, %broadcast_in_dim3A_73 : vector<256x1024xi1>, vector<256x1024xf32>
    %reduce_min3A_75 = arith.constant dense<0x7F800000> : vector<256xf32>
    %reduce_min3A_76 = vector.multi_reduction <minimumf>, %select_n3A_74, %reduce_min3A_75 [1] : vector<256x1024xf32> to vector<256xf32>
    %broadcast_in_dim3A_77 = vector.shape_cast %reduce_min3A_76 : vector<256xf32> to vector<256x1xf32>
    %eq3A_78 = vector.broadcast %broadcast_in_dim3A_77 : vector<256x1xf32> to vector<256x1024xf32>
    %eq3A_79 = arith.cmpf oeq, %select_n3A_74, %eq3A_78 : vector<256x1024xf32>
    %jit3A_80 = arith.constant 0x7F800000 : f32
    %broadcast_in_dim3A_81 = vector.broadcast %jit3A_80 : f32 to vector<256x1024xf32>
    %select_n3A_82 = arith.select %eq3A_79, %broadcast_in_dim3A_81, %select_n3A_64 : vector<256x1024xi1>, vector<256x1024xf32>
    %reduce_min3A_83 = arith.constant dense<0x7F800000> : vector<256xf32>
    %reduce_min3A_84 = vector.multi_reduction <minimumf>, %select_n3A_82, %reduce_min3A_83 [1] : vector<256x1024xf32> to vector<256xf32>
    %broadcast_in_dim3A_85 = vector.shape_cast %reduce_min3A_84 : vector<256xf32> to vector<256x1xf32>
    %eq3A_86 = vector.broadcast %broadcast_in_dim3A_85 : vector<256x1xf32> to vector<256x1024xf32>
    %eq3A_87 = arith.cmpf oeq, %select_n3A_82, %eq3A_86 : vector<256x1024xf32>
    %jit3A_88 = arith.constant 2.000000e+09 : f32
    %broadcast_in_dim3A_89 = vector.shape_cast %slice3A_22 : vector<1x1024xf32> to vector<1x1024xf32>
    %broadcast_in_dim3A_90 = vector.broadcast %broadcast_in_dim3A_89 : vector<1x1024xf32> to vector<256x1024xf32>
    %broadcast_in_dim3A_91 = vector.broadcast %jit3A_88 : f32 to vector<256x1024xf32>
    %select_n3A_92 = arith.select %eq3A_87, %broadcast_in_dim3A_90, %broadcast_in_dim3A_91 : vector<256x1024xi1>, vector<256x1024xf32>
    %reduce_min3A_93 = arith.constant dense<0x7F800000> : vector<256xf32>
    %reduce_min3A_94 = vector.multi_reduction <minimumf>, %select_n3A_92, %reduce_min3A_93 [1] : vector<256x1024xf32> to vector<256xf32>
    %broadcast_in_dim3A_95 = vector.shape_cast %reduce_min3A_94 : vector<256xf32> to vector<256x1xf32>
    %eq3A_96 = vector.broadcast %broadcast_in_dim3A_95 : vector<256x1xf32> to vector<256x1024xf32>
    %eq3A_97 = arith.cmpf oeq, %select_n3A_92, %eq3A_96 : vector<256x1024xf32>
    %jit3A_98 = arith.constant 0x7F800000 : f32
    %broadcast_in_dim3A_99 = vector.broadcast %jit3A_98 : f32 to vector<256x1024xf32>
    %select_n3A_100 = arith.select %eq3A_97, %broadcast_in_dim3A_99, %select_n3A_82 : vector<256x1024xi1>, vector<256x1024xf32>
    %reduce_min3A_101 = arith.constant dense<0x7F800000> : vector<256xf32>
    %reduce_min3A_102 = vector.multi_reduction <minimumf>, %select_n3A_100, %reduce_min3A_101 [1] : vector<256x1024xf32> to vector<256xf32>
    %broadcast_in_dim3A_103 = vector.shape_cast %reduce_min3A_102 : vector<256xf32> to vector<256x1xf32>
    %eq3A_104 = vector.broadcast %broadcast_in_dim3A_103 : vector<256x1xf32> to vector<256x1024xf32>
    %eq3A_105 = arith.cmpf oeq, %select_n3A_100, %eq3A_104 : vector<256x1024xf32>
    %jit3A_106 = arith.constant 2.000000e+09 : f32
    %broadcast_in_dim3A_107 = vector.shape_cast %slice3A_22 : vector<1x1024xf32> to vector<1x1024xf32>
    %broadcast_in_dim3A_108 = vector.broadcast %broadcast_in_dim3A_107 : vector<1x1024xf32> to vector<256x1024xf32>
    %broadcast_in_dim3A_109 = vector.broadcast %jit3A_106 : f32 to vector<256x1024xf32>
    %select_n3A_110 = arith.select %eq3A_105, %broadcast_in_dim3A_108, %broadcast_in_dim3A_109 : vector<256x1024xi1>, vector<256x1024xf32>
    %reduce_min3A_111 = arith.constant dense<0x7F800000> : vector<256xf32>
    %reduce_min3A_112 = vector.multi_reduction <minimumf>, %select_n3A_110, %reduce_min3A_111 [1] : vector<256x1024xf32> to vector<256xf32>
    %broadcast_in_dim3A_113 = vector.shape_cast %reduce_min3A_112 : vector<256xf32> to vector<256x1xf32>
    %eq3A_114 = vector.broadcast %broadcast_in_dim3A_113 : vector<256x1xf32> to vector<256x1024xf32>
    %eq3A_115 = arith.cmpf oeq, %select_n3A_110, %eq3A_114 : vector<256x1024xf32>
    %jit3A_116 = arith.constant 0x7F800000 : f32
    %broadcast_in_dim3A_117 = vector.broadcast %jit3A_116 : f32 to vector<256x1024xf32>
    %select_n3A_118 = arith.select %eq3A_115, %broadcast_in_dim3A_117, %select_n3A_100 : vector<256x1024xi1>, vector<256x1024xf32>
    %reduce_min3A_119 = arith.constant dense<0x7F800000> : vector<256xf32>
    %reduce_min3A_120 = vector.multi_reduction <minimumf>, %select_n3A_118, %reduce_min3A_119 [1] : vector<256x1024xf32> to vector<256xf32>
    %broadcast_in_dim3A_121 = vector.shape_cast %reduce_min3A_120 : vector<256xf32> to vector<256x1xf32>
    %eq3A_122 = vector.broadcast %broadcast_in_dim3A_121 : vector<256x1xf32> to vector<256x1024xf32>
    %eq3A_123 = arith.cmpf oeq, %select_n3A_118, %eq3A_122 : vector<256x1024xf32>
    %jit3A_124 = arith.constant 2.000000e+09 : f32
    %broadcast_in_dim3A_125 = vector.shape_cast %slice3A_22 : vector<1x1024xf32> to vector<1x1024xf32>
    %broadcast_in_dim3A_126 = vector.broadcast %broadcast_in_dim3A_125 : vector<1x1024xf32> to vector<256x1024xf32>
    %broadcast_in_dim3A_127 = vector.broadcast %jit3A_124 : f32 to vector<256x1024xf32>
    %select_n3A_128 = arith.select %eq3A_123, %broadcast_in_dim3A_126, %broadcast_in_dim3A_127 : vector<256x1024xi1>, vector<256x1024xf32>
    %reduce_min3A_129 = arith.constant dense<0x7F800000> : vector<256xf32>
    %reduce_min3A_130 = vector.multi_reduction <minimumf>, %select_n3A_128, %reduce_min3A_129 [1] : vector<256x1024xf32> to vector<256xf32>
    %broadcast_in_dim3A_131 = vector.shape_cast %reduce_min3A_130 : vector<256xf32> to vector<256x1xf32>
    %eq3A_132 = vector.broadcast %broadcast_in_dim3A_131 : vector<256x1xf32> to vector<256x1024xf32>
    %eq3A_133 = arith.cmpf oeq, %select_n3A_128, %eq3A_132 : vector<256x1024xf32>
    %jit3A_134 = arith.constant 0x7F800000 : f32
    %broadcast_in_dim3A_135 = vector.broadcast %jit3A_134 : f32 to vector<256x1024xf32>
    %select_n3A_136 = arith.select %eq3A_133, %broadcast_in_dim3A_135, %select_n3A_118 : vector<256x1024xi1>, vector<256x1024xf32>
    %reduce_min3A_137 = arith.constant dense<0x7F800000> : vector<256xf32>
    %reduce_min3A_138 = vector.multi_reduction <minimumf>, %select_n3A_136, %reduce_min3A_137 [1] : vector<256x1024xf32> to vector<256xf32>
    %broadcast_in_dim3A_139 = vector.shape_cast %reduce_min3A_138 : vector<256xf32> to vector<256x1xf32>
    %eq3A_140 = vector.broadcast %broadcast_in_dim3A_139 : vector<256x1xf32> to vector<256x1024xf32>
    %eq3A_141 = arith.cmpf oeq, %select_n3A_136, %eq3A_140 : vector<256x1024xf32>
    %jit3A_142 = arith.constant 2.000000e+09 : f32
    %broadcast_in_dim3A_143 = vector.shape_cast %slice3A_22 : vector<1x1024xf32> to vector<1x1024xf32>
    %broadcast_in_dim3A_144 = vector.broadcast %broadcast_in_dim3A_143 : vector<1x1024xf32> to vector<256x1024xf32>
    %broadcast_in_dim3A_145 = vector.broadcast %jit3A_142 : f32 to vector<256x1024xf32>
    %select_n3A_146 = arith.select %eq3A_141, %broadcast_in_dim3A_144, %broadcast_in_dim3A_145 : vector<256x1024xi1>, vector<256x1024xf32>
    %reduce_min3A_147 = arith.constant dense<0x7F800000> : vector<256xf32>
    %reduce_min3A_148 = vector.multi_reduction <minimumf>, %select_n3A_146, %reduce_min3A_147 [1] : vector<256x1024xf32> to vector<256xf32>
    %broadcast_in_dim3A_149 = vector.shape_cast %reduce_min3A_148 : vector<256xf32> to vector<256x1xf32>
    %eq3A_150 = vector.broadcast %broadcast_in_dim3A_149 : vector<256x1xf32> to vector<256x1024xf32>
    %eq3A_151 = arith.cmpf oeq, %select_n3A_146, %eq3A_150 : vector<256x1024xf32>
    %jit3A_152 = arith.constant 0x7F800000 : f32
    %broadcast_in_dim3A_153 = vector.broadcast %jit3A_152 : f32 to vector<256x1024xf32>
    %select_n3A_154 = arith.select %eq3A_151, %broadcast_in_dim3A_153, %select_n3A_136 : vector<256x1024xi1>, vector<256x1024xf32>
    %reduce_min3A_155 = arith.constant dense<0x7F800000> : vector<256xf32>
    %reduce_min3A_156 = vector.multi_reduction <minimumf>, %select_n3A_154, %reduce_min3A_155 [1] : vector<256x1024xf32> to vector<256xf32>
    %broadcast_in_dim3A_157 = vector.shape_cast %reduce_min3A_156 : vector<256xf32> to vector<256x1xf32>
    %eq3A_158 = vector.broadcast %broadcast_in_dim3A_157 : vector<256x1xf32> to vector<256x1024xf32>
    %eq3A_159 = arith.cmpf oeq, %select_n3A_154, %eq3A_158 : vector<256x1024xf32>
    %jit3A_160 = arith.constant 2.000000e+09 : f32
    %broadcast_in_dim3A_161 = vector.shape_cast %slice3A_22 : vector<1x1024xf32> to vector<1x1024xf32>
    %broadcast_in_dim3A_162 = vector.broadcast %broadcast_in_dim3A_161 : vector<1x1024xf32> to vector<256x1024xf32>
    %broadcast_in_dim3A_163 = vector.broadcast %jit3A_160 : f32 to vector<256x1024xf32>
    %select_n3A_164 = arith.select %eq3A_159, %broadcast_in_dim3A_162, %broadcast_in_dim3A_163 : vector<256x1024xi1>, vector<256x1024xf32>
    %reduce_min3A_165 = arith.constant dense<0x7F800000> : vector<256xf32>
    %reduce_min3A_166 = vector.multi_reduction <minimumf>, %select_n3A_164, %reduce_min3A_165 [1] : vector<256x1024xf32> to vector<256xf32>
    %broadcast_in_dim3A_167 = vector.shape_cast %reduce_min3A_166 : vector<256xf32> to vector<256x1xf32>
    %get3A_168 = arith.constant 0 : index
    %get3A_169 = arith.constant 0 : index
    %get3A_170 = vector.load %arg9[%get3A_168, %get3A_169] : memref<256x8xf32, #tpu.memory_space<vmem>>, vector<256x8xf32>
    %concatenate3A = tpu.concatenate %get3A_170, %broadcast_in_dim3A_31, %broadcast_in_dim3A_49, %broadcast_in_dim3A_67, %broadcast_in_dim3A_85, %broadcast_in_dim3A_103, %broadcast_in_dim3A_121, %broadcast_in_dim3A_139, %broadcast_in_dim3A_157 in 1 : vector<256x8xf32>, vector<256x1xf32>, vector<256x1xf32>, vector<256x1xf32>, vector<256x1xf32>, vector<256x1xf32>, vector<256x1xf32>, vector<256x1xf32>, vector<256x1xf32> -> vector<256x16xf32>
    %get3A_171 = arith.constant 0 : index
    %get3A_172 = arith.constant 0 : index
    %get3A_173 = vector.load %arg10[%get3A_171, %get3A_172] : memref<256x8xf32, #tpu.memory_space<vmem>>, vector<256x8xf32>
    %concatenate3A_174 = tpu.concatenate %get3A_173, %broadcast_in_dim3A_41, %broadcast_in_dim3A_59, %broadcast_in_dim3A_77, %broadcast_in_dim3A_95, %broadcast_in_dim3A_113, %broadcast_in_dim3A_131, %broadcast_in_dim3A_149, %broadcast_in_dim3A_167 in 1 : vector<256x8xf32>, vector<256x1xf32>, vector<256x1xf32>, vector<256x1xf32>, vector<256x1xf32>, vector<256x1xf32>, vector<256x1xf32>, vector<256x1xf32>, vector<256x1xf32> -> vector<256x16xf32>
    %reduce_min3A_175 = arith.constant dense<0x7F800000> : vector<256xf32>
    %reduce_min3A_176 = vector.multi_reduction <minimumf>, %concatenate3A, %reduce_min3A_175 [1] : vector<256x16xf32> to vector<256xf32>
    %broadcast_in_dim3A_177 = vector.shape_cast %reduce_min3A_176 : vector<256xf32> to vector<256x1xf32>
    %eq3A_178 = vector.broadcast %broadcast_in_dim3A_177 : vector<256x1xf32> to vector<256x16xf32>
    %eq3A_179 = arith.cmpf oeq, %concatenate3A, %eq3A_178 : vector<256x16xf32>
    %jit3A_180 = arith.constant 2.000000e+09 : f32
    %broadcast_in_dim3A_181 = vector.broadcast %jit3A_180 : f32 to vector<256x16xf32>
    %select_n3A_182 = arith.select %eq3A_179, %concatenate3A_174, %broadcast_in_dim3A_181 : vector<256x16xi1>, vector<256x16xf32>
    %reduce_min3A_183 = arith.constant dense<0x7F800000> : vector<256xf32>
    %reduce_min3A_184 = vector.multi_reduction <minimumf>, %select_n3A_182, %reduce_min3A_183 [1] : vector<256x16xf32> to vector<256xf32>
    %broadcast_in_dim3A_185 = vector.shape_cast %reduce_min3A_184 : vector<256xf32> to vector<256x1xf32>
    %eq3A_186 = vector.broadcast %broadcast_in_dim3A_185 : vector<256x1xf32> to vector<256x16xf32>
    %eq3A_187 = arith.cmpf oeq, %select_n3A_182, %eq3A_186 : vector<256x16xf32>
    %jit3A_188 = arith.constant 0x7F800000 : f32
    %broadcast_in_dim3A_189 = vector.broadcast %jit3A_188 : f32 to vector<256x16xf32>
    %select_n3A_190 = arith.select %eq3A_187, %broadcast_in_dim3A_189, %concatenate3A : vector<256x16xi1>, vector<256x16xf32>
    %reduce_min3A_191 = arith.constant dense<0x7F800000> : vector<256xf32>
    %reduce_min3A_192 = vector.multi_reduction <minimumf>, %select_n3A_190, %reduce_min3A_191 [1] : vector<256x16xf32> to vector<256xf32>
    %broadcast_in_dim3A_193 = vector.shape_cast %reduce_min3A_192 : vector<256xf32> to vector<256x1xf32>
    %eq3A_194 = vector.broadcast %broadcast_in_dim3A_193 : vector<256x1xf32> to vector<256x16xf32>
    %eq3A_195 = arith.cmpf oeq, %select_n3A_190, %eq3A_194 : vector<256x16xf32>
    %jit3A_196 = arith.constant 2.000000e+09 : f32
    %broadcast_in_dim3A_197 = vector.broadcast %jit3A_196 : f32 to vector<256x16xf32>
    %select_n3A_198 = arith.select %eq3A_195, %concatenate3A_174, %broadcast_in_dim3A_197 : vector<256x16xi1>, vector<256x16xf32>
    %reduce_min3A_199 = arith.constant dense<0x7F800000> : vector<256xf32>
    %reduce_min3A_200 = vector.multi_reduction <minimumf>, %select_n3A_198, %reduce_min3A_199 [1] : vector<256x16xf32> to vector<256xf32>
    %broadcast_in_dim3A_201 = vector.shape_cast %reduce_min3A_200 : vector<256xf32> to vector<256x1xf32>
    %eq3A_202 = vector.broadcast %broadcast_in_dim3A_201 : vector<256x1xf32> to vector<256x16xf32>
    %eq3A_203 = arith.cmpf oeq, %select_n3A_198, %eq3A_202 : vector<256x16xf32>
    %jit3A_204 = arith.constant 0x7F800000 : f32
    %broadcast_in_dim3A_205 = vector.broadcast %jit3A_204 : f32 to vector<256x16xf32>
    %select_n3A_206 = arith.select %eq3A_203, %broadcast_in_dim3A_205, %select_n3A_190 : vector<256x16xi1>, vector<256x16xf32>
    %reduce_min3A_207 = arith.constant dense<0x7F800000> : vector<256xf32>
    %reduce_min3A_208 = vector.multi_reduction <minimumf>, %select_n3A_206, %reduce_min3A_207 [1] : vector<256x16xf32> to vector<256xf32>
    %broadcast_in_dim3A_209 = vector.shape_cast %reduce_min3A_208 : vector<256xf32> to vector<256x1xf32>
    %eq3A_210 = vector.broadcast %broadcast_in_dim3A_209 : vector<256x1xf32> to vector<256x16xf32>
    %eq3A_211 = arith.cmpf oeq, %select_n3A_206, %eq3A_210 : vector<256x16xf32>
    %jit3A_212 = arith.constant 2.000000e+09 : f32
    %broadcast_in_dim3A_213 = vector.broadcast %jit3A_212 : f32 to vector<256x16xf32>
    %select_n3A_214 = arith.select %eq3A_211, %concatenate3A_174, %broadcast_in_dim3A_213 : vector<256x16xi1>, vector<256x16xf32>
    %reduce_min3A_215 = arith.constant dense<0x7F800000> : vector<256xf32>
    %reduce_min3A_216 = vector.multi_reduction <minimumf>, %select_n3A_214, %reduce_min3A_215 [1] : vector<256x16xf32> to vector<256xf32>
    %broadcast_in_dim3A_217 = vector.shape_cast %reduce_min3A_216 : vector<256xf32> to vector<256x1xf32>
    %eq3A_218 = vector.broadcast %broadcast_in_dim3A_217 : vector<256x1xf32> to vector<256x16xf32>
    %eq3A_219 = arith.cmpf oeq, %select_n3A_214, %eq3A_218 : vector<256x16xf32>
    %jit3A_220 = arith.constant 0x7F800000 : f32
    %broadcast_in_dim3A_221 = vector.broadcast %jit3A_220 : f32 to vector<256x16xf32>
    %select_n3A_222 = arith.select %eq3A_219, %broadcast_in_dim3A_221, %select_n3A_206 : vector<256x16xi1>, vector<256x16xf32>
    %reduce_min3A_223 = arith.constant dense<0x7F800000> : vector<256xf32>
    %reduce_min3A_224 = vector.multi_reduction <minimumf>, %select_n3A_222, %reduce_min3A_223 [1] : vector<256x16xf32> to vector<256xf32>
    %broadcast_in_dim3A_225 = vector.shape_cast %reduce_min3A_224 : vector<256xf32> to vector<256x1xf32>
    %eq3A_226 = vector.broadcast %broadcast_in_dim3A_225 : vector<256x1xf32> to vector<256x16xf32>
    %eq3A_227 = arith.cmpf oeq, %select_n3A_222, %eq3A_226 : vector<256x16xf32>
    %jit3A_228 = arith.constant 2.000000e+09 : f32
    %broadcast_in_dim3A_229 = vector.broadcast %jit3A_228 : f32 to vector<256x16xf32>
    %select_n3A_230 = arith.select %eq3A_227, %concatenate3A_174, %broadcast_in_dim3A_229 : vector<256x16xi1>, vector<256x16xf32>
    %reduce_min3A_231 = arith.constant dense<0x7F800000> : vector<256xf32>
    %reduce_min3A_232 = vector.multi_reduction <minimumf>, %select_n3A_230, %reduce_min3A_231 [1] : vector<256x16xf32> to vector<256xf32>
    %broadcast_in_dim3A_233 = vector.shape_cast %reduce_min3A_232 : vector<256xf32> to vector<256x1xf32>
    %eq3A_234 = vector.broadcast %broadcast_in_dim3A_233 : vector<256x1xf32> to vector<256x16xf32>
    %eq3A_235 = arith.cmpf oeq, %select_n3A_230, %eq3A_234 : vector<256x16xf32>
    %jit3A_236 = arith.constant 0x7F800000 : f32
    %broadcast_in_dim3A_237 = vector.broadcast %jit3A_236 : f32 to vector<256x16xf32>
    %select_n3A_238 = arith.select %eq3A_235, %broadcast_in_dim3A_237, %select_n3A_222 : vector<256x16xi1>, vector<256x16xf32>
    %reduce_min3A_239 = arith.constant dense<0x7F800000> : vector<256xf32>
    %reduce_min3A_240 = vector.multi_reduction <minimumf>, %select_n3A_238, %reduce_min3A_239 [1] : vector<256x16xf32> to vector<256xf32>
    %broadcast_in_dim3A_241 = vector.shape_cast %reduce_min3A_240 : vector<256xf32> to vector<256x1xf32>
    %eq3A_242 = vector.broadcast %broadcast_in_dim3A_241 : vector<256x1xf32> to vector<256x16xf32>
    %eq3A_243 = arith.cmpf oeq, %select_n3A_238, %eq3A_242 : vector<256x16xf32>
    %jit3A_244 = arith.constant 2.000000e+09 : f32
    %broadcast_in_dim3A_245 = vector.broadcast %jit3A_244 : f32 to vector<256x16xf32>
    %select_n3A_246 = arith.select %eq3A_243, %concatenate3A_174, %broadcast_in_dim3A_245 : vector<256x16xi1>, vector<256x16xf32>
    %reduce_min3A_247 = arith.constant dense<0x7F800000> : vector<256xf32>
    %reduce_min3A_248 = vector.multi_reduction <minimumf>, %select_n3A_246, %reduce_min3A_247 [1] : vector<256x16xf32> to vector<256xf32>
    %broadcast_in_dim3A_249 = vector.shape_cast %reduce_min3A_248 : vector<256xf32> to vector<256x1xf32>
    %eq3A_250 = vector.broadcast %broadcast_in_dim3A_249 : vector<256x1xf32> to vector<256x16xf32>
    %eq3A_251 = arith.cmpf oeq, %select_n3A_246, %eq3A_250 : vector<256x16xf32>
    %jit3A_252 = arith.constant 0x7F800000 : f32
    %broadcast_in_dim3A_253 = vector.broadcast %jit3A_252 : f32 to vector<256x16xf32>
    %select_n3A_254 = arith.select %eq3A_251, %broadcast_in_dim3A_253, %select_n3A_238 : vector<256x16xi1>, vector<256x16xf32>
    %reduce_min3A_255 = arith.constant dense<0x7F800000> : vector<256xf32>
    %reduce_min3A_256 = vector.multi_reduction <minimumf>, %select_n3A_254, %reduce_min3A_255 [1] : vector<256x16xf32> to vector<256xf32>
    %broadcast_in_dim3A_257 = vector.shape_cast %reduce_min3A_256 : vector<256xf32> to vector<256x1xf32>
    %eq3A_258 = vector.broadcast %broadcast_in_dim3A_257 : vector<256x1xf32> to vector<256x16xf32>
    %eq3A_259 = arith.cmpf oeq, %select_n3A_254, %eq3A_258 : vector<256x16xf32>
    %jit3A_260 = arith.constant 2.000000e+09 : f32
    %broadcast_in_dim3A_261 = vector.broadcast %jit3A_260 : f32 to vector<256x16xf32>
    %select_n3A_262 = arith.select %eq3A_259, %concatenate3A_174, %broadcast_in_dim3A_261 : vector<256x16xi1>, vector<256x16xf32>
    %reduce_min3A_263 = arith.constant dense<0x7F800000> : vector<256xf32>
    %reduce_min3A_264 = vector.multi_reduction <minimumf>, %select_n3A_262, %reduce_min3A_263 [1] : vector<256x16xf32> to vector<256xf32>
    %broadcast_in_dim3A_265 = vector.shape_cast %reduce_min3A_264 : vector<256xf32> to vector<256x1xf32>
    %eq3A_266 = vector.broadcast %broadcast_in_dim3A_265 : vector<256x1xf32> to vector<256x16xf32>
    %eq3A_267 = arith.cmpf oeq, %select_n3A_262, %eq3A_266 : vector<256x16xf32>
    %jit3A_268 = arith.constant 0x7F800000 : f32
    %broadcast_in_dim3A_269 = vector.broadcast %jit3A_268 : f32 to vector<256x16xf32>
    %select_n3A_270 = arith.select %eq3A_267, %broadcast_in_dim3A_269, %select_n3A_254 : vector<256x16xi1>, vector<256x16xf32>
    %reduce_min3A_271 = arith.constant dense<0x7F800000> : vector<256xf32>
    %reduce_min3A_272 = vector.multi_reduction <minimumf>, %select_n3A_270, %reduce_min3A_271 [1] : vector<256x16xf32> to vector<256xf32>
    %broadcast_in_dim3A_273 = vector.shape_cast %reduce_min3A_272 : vector<256xf32> to vector<256x1xf32>
    %eq3A_274 = vector.broadcast %broadcast_in_dim3A_273 : vector<256x1xf32> to vector<256x16xf32>
    %eq3A_275 = arith.cmpf oeq, %select_n3A_270, %eq3A_274 : vector<256x16xf32>
    %jit3A_276 = arith.constant 2.000000e+09 : f32
    %broadcast_in_dim3A_277 = vector.broadcast %jit3A_276 : f32 to vector<256x16xf32>
    %select_n3A_278 = arith.select %eq3A_275, %concatenate3A_174, %broadcast_in_dim3A_277 : vector<256x16xi1>, vector<256x16xf32>
    %reduce_min3A_279 = arith.constant dense<0x7F800000> : vector<256xf32>
    %reduce_min3A_280 = vector.multi_reduction <minimumf>, %select_n3A_278, %reduce_min3A_279 [1] : vector<256x16xf32> to vector<256xf32>
    %broadcast_in_dim3A_281 = vector.shape_cast %reduce_min3A_280 : vector<256xf32> to vector<256x1xf32>
    %eq3A_282 = vector.broadcast %broadcast_in_dim3A_281 : vector<256x1xf32> to vector<256x16xf32>
    %eq3A_283 = arith.cmpf oeq, %select_n3A_278, %eq3A_282 : vector<256x16xf32>
    %jit3A_284 = arith.constant 0x7F800000 : f32
    %broadcast_in_dim3A_285 = vector.broadcast %jit3A_284 : f32 to vector<256x16xf32>
    %select_n3A_286 = arith.select %eq3A_283, %broadcast_in_dim3A_285, %select_n3A_270 : vector<256x16xi1>, vector<256x16xf32>
    %reduce_min3A_287 = arith.constant dense<0x7F800000> : vector<256xf32>
    %reduce_min3A_288 = vector.multi_reduction <minimumf>, %select_n3A_286, %reduce_min3A_287 [1] : vector<256x16xf32> to vector<256xf32>
    %broadcast_in_dim3A_289 = vector.shape_cast %reduce_min3A_288 : vector<256xf32> to vector<256x1xf32>
    %eq3A_290 = vector.broadcast %broadcast_in_dim3A_289 : vector<256x1xf32> to vector<256x16xf32>
    %eq3A_291 = arith.cmpf oeq, %select_n3A_286, %eq3A_290 : vector<256x16xf32>
    %jit3A_292 = arith.constant 2.000000e+09 : f32
    %broadcast_in_dim3A_293 = vector.broadcast %jit3A_292 : f32 to vector<256x16xf32>
    %select_n3A_294 = arith.select %eq3A_291, %concatenate3A_174, %broadcast_in_dim3A_293 : vector<256x16xi1>, vector<256x16xf32>
    %reduce_min3A_295 = arith.constant dense<0x7F800000> : vector<256xf32>
    %reduce_min3A_296 = vector.multi_reduction <minimumf>, %select_n3A_294, %reduce_min3A_295 [1] : vector<256x16xf32> to vector<256xf32>
    %broadcast_in_dim3A_297 = vector.shape_cast %reduce_min3A_296 : vector<256xf32> to vector<256x1xf32>
    %concatenate3A_298 = tpu.concatenate %broadcast_in_dim3A_177, %broadcast_in_dim3A_193, %broadcast_in_dim3A_209, %broadcast_in_dim3A_225, %broadcast_in_dim3A_241, %broadcast_in_dim3A_257, %broadcast_in_dim3A_273, %broadcast_in_dim3A_289 in 1 : vector<256x1xf32>, vector<256x1xf32>, vector<256x1xf32>, vector<256x1xf32>, vector<256x1xf32>, vector<256x1xf32>, vector<256x1xf32>, vector<256x1xf32> -> vector<256x8xf32>
    %swap3A = arith.constant 0 : index
    %swap3A_299 = arith.constant 0 : index
    %swap3A_300 = vector.load %arg9[%swap3A, %swap3A_299] : memref<256x8xf32, #tpu.memory_space<vmem>>, vector<256x8xf32>
    tpu.vector_store %arg9[%swap3A, %swap3A_299], %concatenate3A_298 {strides = array<i32>} : memref<256x8xf32, #tpu.memory_space<vmem>>, vector<256x8xf32>,
    %concatenate3A_301 = tpu.concatenate %broadcast_in_dim3A_185, %broadcast_in_dim3A_201, %broadcast_in_dim3A_217, %broadcast_in_dim3A_233, %broadcast_in_dim3A_249, %broadcast_in_dim3A_265, %broadcast_in_dim3A_281, %broadcast_in_dim3A_297 in 1 : vector<256x1xf32>, vector<256x1xf32>, vector<256x1xf32>, vector<256x1xf32>, vector<256x1xf32>, vector<256x1xf32>, vector<256x1xf32>, vector<256x1xf32> -> vector<256x8xf32>
    %swap3A_302 = arith.constant 0 : index
    %swap3A_303 = arith.constant 0 : index
    %swap3A_304 = vector.load %arg10[%swap3A_302, %swap3A_303] : memref<256x8xf32, #tpu.memory_space<vmem>>, vector<256x8xf32>
    tpu.vector_store %arg10[%swap3A_302, %swap3A_303], %concatenate3A_301 {strides = array<i32>} : memref<256x8xf32, #tpu.memory_space<vmem>>, vector<256x8xf32>,
    %eq3A_305 = arith.constant 9 : i32
    %eq3A_306 = arith.cmpi eq, %arg1, %eq3A_305 : i32
    %convert_element_type3A_307 = arith.extui %eq3A_306 : i1 to i32
    %cond3A_308 = arith.constant 0 : i32
    %cond3A_309 = arith.cmpi ne, %convert_element_type3A_307, %cond3A_308 : i32
    scf.if %cond3A_309 {
      %get3A_310 = arith.constant 0 : index
      %get3A_311 = arith.constant 0 : index
      %get3A_312 = vector.load %arg10[%get3A_310, %get3A_311] : memref<256x8xf32, #tpu.memory_space<vmem>>, vector<256x8xf32>
      %convert_element_type3A_313 = arith.fptosi %get3A_312 : vector<256x8xf32> to vector<256x8xi32>
      %swap3A_314 = arith.constant 0 : index
      %swap3A_315 = arith.constant 0 : index
      %swap3A_316 = vector.load %arg8[%swap3A_314, %swap3A_315] : memref<256x8xi32, #tpu.memory_space<vmem>>, vector<256x8xi32>
      tpu.vector_store %arg8[%swap3A_314, %swap3A_315], %convert_element_type3A_313 {strides = array<i32>} : memref<256x8xi32, #tpu.memory_space<vmem>>, vector<256x8xi32>,
    } else {
    }
    return
  }
  func.func @transform_0(%arg0: i32, %arg1: i32) -> (i32, i32) {
    %c0_i32 = arith.constant 0 : i32
    %c0_i32_0 = arith.constant 0 : i32
    return %arg0, %c0_i32 : i32, i32
  }
  func.func @transform_1(%arg0: i32, %arg1: i32) -> (i32, i32) {
    %c0_i32 = arith.constant 0 : i32
    %c0_i32_0 = arith.constant 0 : i32
    return %arg1, %c0_i32 : i32, i32
  }
  func.func @transform_2(%arg0: i32, %arg1: i32) -> (i32, i32) {
    %c0_i32 = arith.constant 0 : i32
    %c0_i32_0 = arith.constant 0 : i32
    return %arg0, %c0_i32 : i32, i32
  }
  func.func @transform_3(%arg0: i32, %arg1: i32) -> (i32, i32) {
    %c0_i32 = arith.constant 0 : i32
    %c0_i32_0 = arith.constant 0 : i32
    return %c0_i32, %arg1 : i32, i32
  }
  func.func @transform_4(%arg0: i32, %arg1: i32) -> (i32, i32) {
    %c0_i32 = arith.constant 0 : i32
    %c0_i32_0 = arith.constant 0 : i32
    return %arg0, %c0_i32 : i32, i32
  }
  func.func @transform_5(%arg0: i32, %arg1: i32) -> (i32, i32) {
    %c0_i32 = arith.constant 0 : i32
    %c0_i32_0 = arith.constant 0 : i32
    return %c0_i32, %arg1 : i32, i32
  }
  func.func @transform_6(%arg0: i32, %arg1: i32) -> (i32, i32) {
    %c0_i32 = arith.constant 0 : i32
    %c0_i32_0 = arith.constant 0 : i32
    return %arg0, %c0_i32 : i32, i32
  }
}

module attributes {stable_mosaic.version = 14 : i64} {
  func.func @_knn_body(%arg0: i32, %arg1: i32, %arg2: memref<256x64xf32, #tpu.memory_space<vmem>>, %arg3: memref<1024x64xf32, #tpu.memory_space<vmem>>, %arg4: memref<256x8xf32, #tpu.memory_space<vmem>>, %arg5: memref<8x1024xf32, #tpu.memory_space<vmem>>, %arg6: memref<256x8xf32, #tpu.memory_space<vmem>>, %arg7: memref<8x1024xf32, #tpu.memory_space<vmem>>, %arg8: memref<256x8xi32, #tpu.memory_space<vmem>>, %arg9: memref<256x8xf32, #tpu.memory_space<vmem>>, %arg10: memref<256x8xf32, #tpu.memory_space<vmem>>) attributes {dimension_semantics = [#tpu.dimension_semantics<arbitrary>, #tpu.dimension_semantics<arbitrary>], iteration_bounds = array<i64: 40, 10>, scalar_prefetch = 0 : i64, scratch_operands = 2 : i64, tpu.core_type = #tpu.core_type<tc>, window_params = [{transform_indices = @transform_0, window_bounds = array<i64: 256, 64>}, {transform_indices = @transform_1, window_bounds = array<i64: 1024, 64>}, {transform_indices = @transform_2, window_bounds = array<i64: 256, 8>}, {transform_indices = @transform_3, window_bounds = array<i64: 8, 1024>}, {transform_indices = @transform_4, window_bounds = array<i64: 256, 8>}, {transform_indices = @transform_5, window_bounds = array<i64: 8, 1024>}, {transform_indices = @transform_6, window_bounds = array<i64: 256, 8>}]} {
    %eq3A = arith.constant 0 : i32
    %eq3A_0 = arith.cmpi eq, %arg1, %eq3A : i32
    %convert_element_type3A = arith.extui %eq3A_0 : i1 to i32
    %cond3A = arith.constant 0 : i32
    %cond3A_1 = arith.cmpi ne, %convert_element_type3A, %cond3A : i32
    scf.if %cond3A_1 {
      %broadcast_in_dim3A_310 = arith.constant 0x7F800000 : f32
      %broadcast_in_dim3A_311 = vector.broadcast %broadcast_in_dim3A_310 : f32 to vector<256x8xf32>
      %swap3A_312 = arith.constant 0 : index
      %swap3A_313 = arith.constant 0 : index
      %swap3A_314 = vector.load %arg9[%swap3A_312, %swap3A_313] : memref<256x8xf32, #tpu.memory_space<vmem>>, vector<256x8xf32>
      tpu.vector_store %arg9[%swap3A_312, %swap3A_313], %broadcast_in_dim3A_311 {strides = array<i32>} : memref<256x8xf32, #tpu.memory_space<vmem>>, vector<256x8xf32>,
      %broadcast_in_dim3A_315 = arith.constant 2.000000e+09 : f32
      %broadcast_in_dim3A_316 = vector.broadcast %broadcast_in_dim3A_315 : f32 to vector<256x8xf32>
      %swap3A_317 = arith.constant 0 : index
      %swap3A_318 = arith.constant 0 : index
      %swap3A_319 = vector.load %arg10[%swap3A_317, %swap3A_318] : memref<256x8xf32, #tpu.memory_space<vmem>>, vector<256x8xf32>
      tpu.vector_store %arg10[%swap3A_317, %swap3A_318], %broadcast_in_dim3A_316 {strides = array<i32>} : memref<256x8xf32, #tpu.memory_space<vmem>>, vector<256x8xf32>,
    } else {
    }
    %get3A = arith.constant 0 : index
    %get3A_2 = arith.constant 0 : index
    %get3A_3 = vector.load %arg2[%get3A, %get3A_2] : memref<256x64xf32, #tpu.memory_space<vmem>>, vector<256x64xf32>
    %get3A_4 = arith.constant 0 : index
    %get3A_5 = arith.constant 0 : index
    %get3A_6 = vector.load %arg3[%get3A_4, %get3A_5] : memref<1024x64xf32, #tpu.memory_space<vmem>>, vector<1024x64xf32>
    %dot_general3A = arith.constant dense<0.000000e+00> : vector<256x1024xf32>
    %dot_general3A_7 = tpu.matmul %get3A_3, %get3A_6, %dot_general3A {dimension_numbers = #tpu.dot_dimension_numbers<[1], [1], [0], [0], [0, 0, 1, 0], [], []>, transpose_lhs_hint = false} : vector<256x64xf32>, vector<1024x64xf32>, vector<256x1024xf32> -> vector<256x1024xf32>
    %get3A_8 = arith.constant 0 : index
    %get3A_9 = arith.constant 0 : index
    %get3A_10 = vector.load %arg4[%get3A_8, %get3A_9] : memref<256x8xf32, #tpu.memory_space<vmem>>, vector<256x8xf32>
    %slice3A = vector.extract_strided_slice %get3A_10 {offsets = [0, 0], sizes = [256, 1], strides = [1, 1]} : vector<256x8xf32> to vector<256x1xf32>
    %get3A_11 = arith.constant 0 : index
    %get3A_12 = arith.constant 0 : index
    %get3A_13 = vector.load %arg5[%get3A_11, %get3A_12] : memref<8x1024xf32, #tpu.memory_space<vmem>>, vector<8x1024xf32>
    %slice3A_14 = vector.extract_strided_slice %get3A_13 {offsets = [0, 0], sizes = [1, 1024], strides = [1, 1]} : vector<8x1024xf32> to vector<1x1024xf32>
    %mul3A = arith.constant 2.000000e+00 : f32
    %mul3A_15 = vector.broadcast %mul3A : f32 to vector<256x1024xf32>
    %mul3A_16 = arith.mulf %mul3A_15, %dot_general3A_7 : vector<256x1024xf32>
    %sub3A = vector.broadcast %slice3A : vector<256x1xf32> to vector<256x1024xf32>
    %sub3A_17 = arith.subf %sub3A, %mul3A_16 : vector<256x1024xf32>
    %add3A = vector.broadcast %slice3A_14 : vector<1x1024xf32> to vector<256x1024xf32>
    %add3A_18 = arith.addf %sub3A_17, %add3A : vector<256x1024xf32>
    %get3A_19 = arith.constant 0 : index
    %get3A_20 = arith.constant 0 : index
    %get3A_21 = vector.load %arg7[%get3A_19, %get3A_20] : memref<8x1024xf32, #tpu.memory_space<vmem>>, vector<8x1024xf32>
    %slice3A_22 = vector.extract_strided_slice %get3A_21 {offsets = [0, 0], sizes = [1, 1024], strides = [1, 1]} : vector<8x1024xf32> to vector<1x1024xf32>
    %get3A_23 = arith.constant 0 : index
    %get3A_24 = arith.constant 0 : index
    %get3A_25 = vector.load %arg6[%get3A_23, %get3A_24] : memref<256x8xf32, #tpu.memory_space<vmem>>, vector<256x8xf32>
    %slice3A_26 = vector.extract_strided_slice %get3A_25 {offsets = [0, 0], sizes = [256, 1], strides = [1, 1]} : vector<256x8xf32> to vector<256x1xf32>
    %eq3A_27 = vector.broadcast %slice3A_22 : vector<1x1024xf32> to vector<256x1024xf32>
    %eq3A_28 = vector.broadcast %slice3A_26 : vector<256x1xf32> to vector<256x1024xf32>
    %eq3A_29 = arith.cmpf oeq, %eq3A_27, %eq3A_28 : vector<256x1024xf32>
    %jit3A = arith.constant 0x7F800000 : f32
    %broadcast_in_dim3A = vector.broadcast %jit3A : f32 to vector<256x1024xf32>
    %select_n3A = arith.select %eq3A_29, %broadcast_in_dim3A, %add3A_18 : vector<256x1024xi1>, vector<256x1024xf32>
    %reduce_min3A = arith.constant dense<0x7F800000> : vector<256xf32>
    %reduce_min3A_30 = vector.multi_reduction <minimumf>, %select_n3A, %reduce_min3A [1] : vector<256x1024xf32> to vector<256xf32>
    %broadcast_in_dim3A_31 = vector.shape_cast %reduce_min3A_30 : vector<256xf32> to vector<256x1xf32>
    %eq3A_32 = vector.broadcast %broadcast_in_dim3A_31 : vector<256x1xf32> to vector<256x1024xf32>
    %eq3A_33 = arith.cmpf oeq, %select_n3A, %eq3A_32 : vector<256x1024xf32>
    %jit3A_34 = arith.constant 2.000000e+09 : f32
    %broadcast_in_dim3A_35 = vector.shape_cast %slice3A_22 : vector<1x1024xf32> to vector<1x1024xf32>
    %broadcast_in_dim3A_36 = vector.broadcast %broadcast_in_dim3A_35 : vector<1x1024xf32> to vector<256x1024xf32>
    %broadcast_in_dim3A_37 = vector.broadcast %jit3A_34 : f32 to vector<256x1024xf32>
    %select_n3A_38 = arith.select %eq3A_33, %broadcast_in_dim3A_36, %broadcast_in_dim3A_37 : vector<256x1024xi1>, vector<256x1024xf32>
    %reduce_min3A_39 = arith.constant dense<0x7F800000> : vector<256xf32>
    %reduce_min3A_40 = vector.multi_reduction <minimumf>, %select_n3A_38, %reduce_min3A_39 [1] : vector<256x1024xf32> to vector<256xf32>
    %broadcast_in_dim3A_41 = vector.shape_cast %reduce_min3A_40 : vector<256xf32> to vector<256x1xf32>
    %eq3A_42 = vector.broadcast %broadcast_in_dim3A_41 : vector<256x1xf32> to vector<256x1024xf32>
    %eq3A_43 = arith.cmpf oeq, %select_n3A_38, %eq3A_42 : vector<256x1024xf32>
    %jit3A_44 = arith.constant 0x7F800000 : f32
    %broadcast_in_dim3A_45 = vector.broadcast %jit3A_44 : f32 to vector<256x1024xf32>
    %select_n3A_46 = arith.select %eq3A_43, %broadcast_in_dim3A_45, %select_n3A : vector<256x1024xi1>, vector<256x1024xf32>
    %reduce_min3A_47 = arith.constant dense<0x7F800000> : vector<256xf32>
    %reduce_min3A_48 = vector.multi_reduction <minimumf>, %select_n3A_46, %reduce_min3A_47 [1] : vector<256x1024xf32> to vector<256xf32>
    %broadcast_in_dim3A_49 = vector.shape_cast %reduce_min3A_48 : vector<256xf32> to vector<256x1xf32>
    %eq3A_50 = vector.broadcast %broadcast_in_dim3A_49 : vector<256x1xf32> to vector<256x1024xf32>
    %eq3A_51 = arith.cmpf oeq, %select_n3A_46, %eq3A_50 : vector<256x1024xf32>
    %jit3A_52 = arith.constant 2.000000e+09 : f32
    %broadcast_in_dim3A_53 = vector.shape_cast %slice3A_22 : vector<1x1024xf32> to vector<1x1024xf32>
    %broadcast_in_dim3A_54 = vector.broadcast %broadcast_in_dim3A_53 : vector<1x1024xf32> to vector<256x1024xf32>
    %broadcast_in_dim3A_55 = vector.broadcast %jit3A_52 : f32 to vector<256x1024xf32>
    %select_n3A_56 = arith.select %eq3A_51, %broadcast_in_dim3A_54, %broadcast_in_dim3A_55 : vector<256x1024xi1>, vector<256x1024xf32>
    %reduce_min3A_57 = arith.constant dense<0x7F800000> : vector<256xf32>
    %reduce_min3A_58 = vector.multi_reduction <minimumf>, %select_n3A_56, %reduce_min3A_57 [1] : vector<256x1024xf32> to vector<256xf32>
    %broadcast_in_dim3A_59 = vector.shape_cast %reduce_min3A_58 : vector<256xf32> to vector<256x1xf32>
    %eq3A_60 = vector.broadcast %broadcast_in_dim3A_59 : vector<256x1xf32> to vector<256x1024xf32>
    %eq3A_61 = arith.cmpf oeq, %select_n3A_56, %eq3A_60 : vector<256x1024xf32>
    %jit3A_62 = arith.constant 0x7F800000 : f32
    %broadcast_in_dim3A_63 = vector.broadcast %jit3A_62 : f32 to vector<256x1024xf32>
    %select_n3A_64 = arith.select %eq3A_61, %broadcast_in_dim3A_63, %select_n3A_46 : vector<256x1024xi1>, vector<256x1024xf32>
    %reduce_min3A_65 = arith.constant dense<0x7F800000> : vector<256xf32>
    %reduce_min3A_66 = vector.multi_reduction <minimumf>, %select_n3A_64, %reduce_min3A_65 [1] : vector<256x1024xf32> to vector<256xf32>
    %broadcast_in_dim3A_67 = vector.shape_cast %reduce_min3A_66 : vector<256xf32> to vector<256x1xf32>
    %eq3A_68 = vector.broadcast %broadcast_in_dim3A_67 : vector<256x1xf32> to vector<256x1024xf32>
    %eq3A_69 = arith.cmpf oeq, %select_n3A_64, %eq3A_68 : vector<256x1024xf32>
    %jit3A_70 = arith.constant 2.000000e+09 : f32
    %broadcast_in_dim3A_71 = vector.shape_cast %slice3A_22 : vector<1x1024xf32> to vector<1x1024xf32>
    %broadcast_in_dim3A_72 = vector.broadcast %broadcast_in_dim3A_71 : vector<1x1024xf32> to vector<256x1024xf32>
    %broadcast_in_dim3A_73 = vector.broadcast %jit3A_70 : f32 to vector<256x1024xf32>
    %select_n3A_74 = arith.select %eq3A_69, %broadcast_in_dim3A_72, %broadcast_in_dim3A_73 : vector<256x1024xi1>, vector<256x1024xf32>
    %reduce_min3A_75 = arith.constant dense<0x7F800000> : vector<256xf32>
    %reduce_min3A_76 = vector.multi_reduction <minimumf>, %select_n3A_74, %reduce_min3A_75 [1] : vector<256x1024xf32> to vector<256xf32>
    %broadcast_in_dim3A_77 = vector.shape_cast %reduce_min3A_76 : vector<256xf32> to vector<256x1xf32>
    %eq3A_78 = vector.broadcast %broadcast_in_dim3A_77 : vector<256x1xf32> to vector<256x1024xf32>
    %eq3A_79 = arith.cmpf oeq, %select_n3A_74, %eq3A_78 : vector<256x1024xf32>
    %jit3A_80 = arith.constant 0x7F800000 : f32
    %broadcast_in_dim3A_81 = vector.broadcast %jit3A_80 : f32 to vector<256x1024xf32>
    %select_n3A_82 = arith.select %eq3A_79, %broadcast_in_dim3A_81, %select_n3A_64 : vector<256x1024xi1>, vector<256x1024xf32>
    %reduce_min3A_83 = arith.constant dense<0x7F800000> : vector<256xf32>
    %reduce_min3A_84 = vector.multi_reduction <minimumf>, %select_n3A_82, %reduce_min3A_83 [1] : vector<256x1024xf32> to vector<256xf32>
    %broadcast_in_dim3A_85 = vector.shape_cast %reduce_min3A_84 : vector<256xf32> to vector<256x1xf32>
    %eq3A_86 = vector.broadcast %broadcast_in_dim3A_85 : vector<256x1xf32> to vector<256x1024xf32>
    %eq3A_87 = arith.cmpf oeq, %select_n3A_82, %eq3A_86 : vector<256x1024xf32>
    %jit3A_88 = arith.constant 2.000000e+09 : f32
    %broadcast_in_dim3A_89 = vector.shape_cast %slice3A_22 : vector<1x1024xf32> to vector<1x1024xf32>
    %broadcast_in_dim3A_90 = vector.broadcast %broadcast_in_dim3A_89 : vector<1x1024xf32> to vector<256x1024xf32>
    %broadcast_in_dim3A_91 = vector.broadcast %jit3A_88 : f32 to vector<256x1024xf32>
    %select_n3A_92 = arith.select %eq3A_87, %broadcast_in_dim3A_90, %broadcast_in_dim3A_91 : vector<256x1024xi1>, vector<256x1024xf32>
    %reduce_min3A_93 = arith.constant dense<0x7F800000> : vector<256xf32>
    %reduce_min3A_94 = vector.multi_reduction <minimumf>, %select_n3A_92, %reduce_min3A_93 [1] : vector<256x1024xf32> to vector<256xf32>
    %broadcast_in_dim3A_95 = vector.shape_cast %reduce_min3A_94 : vector<256xf32> to vector<256x1xf32>
    %eq3A_96 = vector.broadcast %broadcast_in_dim3A_95 : vector<256x1xf32> to vector<256x1024xf32>
    %eq3A_97 = arith.cmpf oeq, %select_n3A_92, %eq3A_96 : vector<256x1024xf32>
    %jit3A_98 = arith.constant 0x7F800000 : f32
    %broadcast_in_dim3A_99 = vector.broadcast %jit3A_98 : f32 to vector<256x1024xf32>
    %select_n3A_100 = arith.select %eq3A_97, %broadcast_in_dim3A_99, %select_n3A_82 : vector<256x1024xi1>, vector<256x1024xf32>
    %reduce_min3A_101 = arith.constant dense<0x7F800000> : vector<256xf32>
    %reduce_min3A_102 = vector.multi_reduction <minimumf>, %select_n3A_100, %reduce_min3A_101 [1] : vector<256x1024xf32> to vector<256xf32>
    %broadcast_in_dim3A_103 = vector.shape_cast %reduce_min3A_102 : vector<256xf32> to vector<256x1xf32>
    %eq3A_104 = vector.broadcast %broadcast_in_dim3A_103 : vector<256x1xf32> to vector<256x1024xf32>
    %eq3A_105 = arith.cmpf oeq, %select_n3A_100, %eq3A_104 : vector<256x1024xf32>
    %jit3A_106 = arith.constant 2.000000e+09 : f32
    %broadcast_in_dim3A_107 = vector.shape_cast %slice3A_22 : vector<1x1024xf32> to vector<1x1024xf32>
    %broadcast_in_dim3A_108 = vector.broadcast %broadcast_in_dim3A_107 : vector<1x1024xf32> to vector<256x1024xf32>
    %broadcast_in_dim3A_109 = vector.broadcast %jit3A_106 : f32 to vector<256x1024xf32>
    %select_n3A_110 = arith.select %eq3A_105, %broadcast_in_dim3A_108, %broadcast_in_dim3A_109 : vector<256x1024xi1>, vector<256x1024xf32>
    %reduce_min3A_111 = arith.constant dense<0x7F800000> : vector<256xf32>
    %reduce_min3A_112 = vector.multi_reduction <minimumf>, %select_n3A_110, %reduce_min3A_111 [1] : vector<256x1024xf32> to vector<256xf32>
    %broadcast_in_dim3A_113 = vector.shape_cast %reduce_min3A_112 : vector<256xf32> to vector<256x1xf32>
    %eq3A_114 = vector.broadcast %broadcast_in_dim3A_113 : vector<256x1xf32> to vector<256x1024xf32>
    %eq3A_115 = arith.cmpf oeq, %select_n3A_110, %eq3A_114 : vector<256x1024xf32>
    %jit3A_116 = arith.constant 0x7F800000 : f32
    %broadcast_in_dim3A_117 = vector.broadcast %jit3A_116 : f32 to vector<256x1024xf32>
    %select_n3A_118 = arith.select %eq3A_115, %broadcast_in_dim3A_117, %select_n3A_100 : vector<256x1024xi1>, vector<256x1024xf32>
    %reduce_min3A_119 = arith.constant dense<0x7F800000> : vector<256xf32>
    %reduce_min3A_120 = vector.multi_reduction <minimumf>, %select_n3A_118, %reduce_min3A_119 [1] : vector<256x1024xf32> to vector<256xf32>
    %broadcast_in_dim3A_121 = vector.shape_cast %reduce_min3A_120 : vector<256xf32> to vector<256x1xf32>
    %eq3A_122 = vector.broadcast %broadcast_in_dim3A_121 : vector<256x1xf32> to vector<256x1024xf32>
    %eq3A_123 = arith.cmpf oeq, %select_n3A_118, %eq3A_122 : vector<256x1024xf32>
    %jit3A_124 = arith.constant 2.000000e+09 : f32
    %broadcast_in_dim3A_125 = vector.shape_cast %slice3A_22 : vector<1x1024xf32> to vector<1x1024xf32>
    %broadcast_in_dim3A_126 = vector.broadcast %broadcast_in_dim3A_125 : vector<1x1024xf32> to vector<256x1024xf32>
    %broadcast_in_dim3A_127 = vector.broadcast %jit3A_124 : f32 to vector<256x1024xf32>
    %select_n3A_128 = arith.select %eq3A_123, %broadcast_in_dim3A_126, %broadcast_in_dim3A_127 : vector<256x1024xi1>, vector<256x1024xf32>
    %reduce_min3A_129 = arith.constant dense<0x7F800000> : vector<256xf32>
    %reduce_min3A_130 = vector.multi_reduction <minimumf>, %select_n3A_128, %reduce_min3A_129 [1] : vector<256x1024xf32> to vector<256xf32>
    %broadcast_in_dim3A_131 = vector.shape_cast %reduce_min3A_130 : vector<256xf32> to vector<256x1xf32>
    %eq3A_132 = vector.broadcast %broadcast_in_dim3A_131 : vector<256x1xf32> to vector<256x1024xf32>
    %eq3A_133 = arith.cmpf oeq, %select_n3A_128, %eq3A_132 : vector<256x1024xf32>
    %jit3A_134 = arith.constant 0x7F800000 : f32
    %broadcast_in_dim3A_135 = vector.broadcast %jit3A_134 : f32 to vector<256x1024xf32>
    %select_n3A_136 = arith.select %eq3A_133, %broadcast_in_dim3A_135, %select_n3A_118 : vector<256x1024xi1>, vector<256x1024xf32>
    %reduce_min3A_137 = arith.constant dense<0x7F800000> : vector<256xf32>
    %reduce_min3A_138 = vector.multi_reduction <minimumf>, %select_n3A_136, %reduce_min3A_137 [1] : vector<256x1024xf32> to vector<256xf32>
    %broadcast_in_dim3A_139 = vector.shape_cast %reduce_min3A_138 : vector<256xf32> to vector<256x1xf32>
    %eq3A_140 = vector.broadcast %broadcast_in_dim3A_139 : vector<256x1xf32> to vector<256x1024xf32>
    %eq3A_141 = arith.cmpf oeq, %select_n3A_136, %eq3A_140 : vector<256x1024xf32>
    %jit3A_142 = arith.constant 2.000000e+09 : f32
    %broadcast_in_dim3A_143 = vector.shape_cast %slice3A_22 : vector<1x1024xf32> to vector<1x1024xf32>
    %broadcast_in_dim3A_144 = vector.broadcast %broadcast_in_dim3A_143 : vector<1x1024xf32> to vector<256x1024xf32>
    %broadcast_in_dim3A_145 = vector.broadcast %jit3A_142 : f32 to vector<256x1024xf32>
    %select_n3A_146 = arith.select %eq3A_141, %broadcast_in_dim3A_144, %broadcast_in_dim3A_145 : vector<256x1024xi1>, vector<256x1024xf32>
    %reduce_min3A_147 = arith.constant dense<0x7F800000> : vector<256xf32>
    %reduce_min3A_148 = vector.multi_reduction <minimumf>, %select_n3A_146, %reduce_min3A_147 [1] : vector<256x1024xf32> to vector<256xf32>
    %broadcast_in_dim3A_149 = vector.shape_cast %reduce_min3A_148 : vector<256xf32> to vector<256x1xf32>
    %eq3A_150 = vector.broadcast %broadcast_in_dim3A_149 : vector<256x1xf32> to vector<256x1024xf32>
    %eq3A_151 = arith.cmpf oeq, %select_n3A_146, %eq3A_150 : vector<256x1024xf32>
    %jit3A_152 = arith.constant 0x7F800000 : f32
    %broadcast_in_dim3A_153 = vector.broadcast %jit3A_152 : f32 to vector<256x1024xf32>
    %select_n3A_154 = arith.select %eq3A_151, %broadcast_in_dim3A_153, %select_n3A_136 : vector<256x1024xi1>, vector<256x1024xf32>
    %reduce_min3A_155 = arith.constant dense<0x7F800000> : vector<256xf32>
    %reduce_min3A_156 = vector.multi_reduction <minimumf>, %select_n3A_154, %reduce_min3A_155 [1] : vector<256x1024xf32> to vector<256xf32>
    %broadcast_in_dim3A_157 = vector.shape_cast %reduce_min3A_156 : vector<256xf32> to vector<256x1xf32>
    %eq3A_158 = vector.broadcast %broadcast_in_dim3A_157 : vector<256x1xf32> to vector<256x1024xf32>
    %eq3A_159 = arith.cmpf oeq, %select_n3A_154, %eq3A_158 : vector<256x1024xf32>
    %jit3A_160 = arith.constant 2.000000e+09 : f32
    %broadcast_in_dim3A_161 = vector.shape_cast %slice3A_22 : vector<1x1024xf32> to vector<1x1024xf32>
    %broadcast_in_dim3A_162 = vector.broadcast %broadcast_in_dim3A_161 : vector<1x1024xf32> to vector<256x1024xf32>
    %broadcast_in_dim3A_163 = vector.broadcast %jit3A_160 : f32 to vector<256x1024xf32>
    %select_n3A_164 = arith.select %eq3A_159, %broadcast_in_dim3A_162, %broadcast_in_dim3A_163 : vector<256x1024xi1>, vector<256x1024xf32>
    %reduce_min3A_165 = arith.constant dense<0x7F800000> : vector<256xf32>
    %reduce_min3A_166 = vector.multi_reduction <minimumf>, %select_n3A_164, %reduce_min3A_165 [1] : vector<256x1024xf32> to vector<256xf32>
    %broadcast_in_dim3A_167 = vector.shape_cast %reduce_min3A_166 : vector<256xf32> to vector<256x1xf32>
    %get3A_168 = arith.constant 0 : index
    %get3A_169 = arith.constant 0 : index
    %get3A_170 = vector.load %arg9[%get3A_168, %get3A_169] : memref<256x8xf32, #tpu.memory_space<vmem>>, vector<256x8xf32>
    %concatenate3A = tpu.concatenate %get3A_170, %broadcast_in_dim3A_31, %broadcast_in_dim3A_49, %broadcast_in_dim3A_67, %broadcast_in_dim3A_85, %broadcast_in_dim3A_103, %broadcast_in_dim3A_121, %broadcast_in_dim3A_139, %broadcast_in_dim3A_157 in 1 : vector<256x8xf32>, vector<256x1xf32>, vector<256x1xf32>, vector<256x1xf32>, vector<256x1xf32>, vector<256x1xf32>, vector<256x1xf32>, vector<256x1xf32>, vector<256x1xf32> -> vector<256x16xf32>
    %get3A_171 = arith.constant 0 : index
    %get3A_172 = arith.constant 0 : index
    %get3A_173 = vector.load %arg10[%get3A_171, %get3A_172] : memref<256x8xf32, #tpu.memory_space<vmem>>, vector<256x8xf32>
    %concatenate3A_174 = tpu.concatenate %get3A_173, %broadcast_in_dim3A_41, %broadcast_in_dim3A_59, %broadcast_in_dim3A_77, %broadcast_in_dim3A_95, %broadcast_in_dim3A_113, %broadcast_in_dim3A_131, %broadcast_in_dim3A_149, %broadcast_in_dim3A_167 in 1 : vector<256x8xf32>, vector<256x1xf32>, vector<256x1xf32>, vector<256x1xf32>, vector<256x1xf32>, vector<256x1xf32>, vector<256x1xf32>, vector<256x1xf32>, vector<256x1xf32> -> vector<256x16xf32>
    %reduce_min3A_175 = arith.constant dense<0x7F800000> : vector<256xf32>
    %reduce_min3A_176 = vector.multi_reduction <minimumf>, %concatenate3A, %reduce_min3A_175 [1] : vector<256x16xf32> to vector<256xf32>
    %broadcast_in_dim3A_177 = vector.shape_cast %reduce_min3A_176 : vector<256xf32> to vector<256x1xf32>
    %eq3A_178 = vector.broadcast %broadcast_in_dim3A_177 : vector<256x1xf32> to vector<256x16xf32>
    %eq3A_179 = arith.cmpf oeq, %concatenate3A, %eq3A_178 : vector<256x16xf32>
    %jit3A_180 = arith.constant 2.000000e+09 : f32
    %broadcast_in_dim3A_181 = vector.broadcast %jit3A_180 : f32 to vector<256x16xf32>
    %select_n3A_182 = arith.select %eq3A_179, %concatenate3A_174, %broadcast_in_dim3A_181 : vector<256x16xi1>, vector<256x16xf32>
    %reduce_min3A_183 = arith.constant dense<0x7F800000> : vector<256xf32>
    %reduce_min3A_184 = vector.multi_reduction <minimumf>, %select_n3A_182, %reduce_min3A_183 [1] : vector<256x16xf32> to vector<256xf32>
    %broadcast_in_dim3A_185 = vector.shape_cast %reduce_min3A_184 : vector<256xf32> to vector<256x1xf32>
    %eq3A_186 = vector.broadcast %broadcast_in_dim3A_185 : vector<256x1xf32> to vector<256x16xf32>
    %eq3A_187 = arith.cmpf oeq, %select_n3A_182, %eq3A_186 : vector<256x16xf32>
    %jit3A_188 = arith.constant 0x7F800000 : f32
    %broadcast_in_dim3A_189 = vector.broadcast %jit3A_188 : f32 to vector<256x16xf32>
    %select_n3A_190 = arith.select %eq3A_187, %broadcast_in_dim3A_189, %concatenate3A : vector<256x16xi1>, vector<256x16xf32>
    %reduce_min3A_191 = arith.constant dense<0x7F800000> : vector<256xf32>
    %reduce_min3A_192 = vector.multi_reduction <minimumf>, %select_n3A_190, %reduce_min3A_191 [1] : vector<256x16xf32> to vector<256xf32>
    %broadcast_in_dim3A_193 = vector.shape_cast %reduce_min3A_192 : vector<256xf32> to vector<256x1xf32>
    %eq3A_194 = vector.broadcast %broadcast_in_dim3A_193 : vector<256x1xf32> to vector<256x16xf32>
    %eq3A_195 = arith.cmpf oeq, %select_n3A_190, %eq3A_194 : vector<256x16xf32>
    %jit3A_196 = arith.constant 2.000000e+09 : f32
    %broadcast_in_dim3A_197 = vector.broadcast %jit3A_196 : f32 to vector<256x16xf32>
    %select_n3A_198 = arith.select %eq3A_195, %concatenate3A_174, %broadcast_in_dim3A_197 : vector<256x16xi1>, vector<256x16xf32>
    %reduce_min3A_199 = arith.constant dense<0x7F800000> : vector<256xf32>
    %reduce_min3A_200 = vector.multi_reduction <minimumf>, %select_n3A_198, %reduce_min3A_199 [1] : vector<256x16xf32> to vector<256xf32>
    %broadcast_in_dim3A_201 = vector.shape_cast %reduce_min3A_200 : vector<256xf32> to vector<256x1xf32>
    %eq3A_202 = vector.broadcast %broadcast_in_dim3A_201 : vector<256x1xf32> to vector<256x16xf32>
    %eq3A_203 = arith.cmpf oeq, %select_n3A_198, %eq3A_202 : vector<256x16xf32>
    %jit3A_204 = arith.constant 0x7F800000 : f32
    %broadcast_in_dim3A_205 = vector.broadcast %jit3A_204 : f32 to vector<256x16xf32>
    %select_n3A_206 = arith.select %eq3A_203, %broadcast_in_dim3A_205, %select_n3A_190 : vector<256x16xi1>, vector<256x16xf32>
    %reduce_min3A_207 = arith.constant dense<0x7F800000> : vector<256xf32>
    %reduce_min3A_208 = vector.multi_reduction <minimumf>, %select_n3A_206, %reduce_min3A_207 [1] : vector<256x16xf32> to vector<256xf32>
    %broadcast_in_dim3A_209 = vector.shape_cast %reduce_min3A_208 : vector<256xf32> to vector<256x1xf32>
    %eq3A_210 = vector.broadcast %broadcast_in_dim3A_209 : vector<256x1xf32> to vector<256x16xf32>
    %eq3A_211 = arith.cmpf oeq, %select_n3A_206, %eq3A_210 : vector<256x16xf32>
    %jit3A_212 = arith.constant 2.000000e+09 : f32
    %broadcast_in_dim3A_213 = vector.broadcast %jit3A_212 : f32 to vector<256x16xf32>
    %select_n3A_214 = arith.select %eq3A_211, %concatenate3A_174, %broadcast_in_dim3A_213 : vector<256x16xi1>, vector<256x16xf32>
    %reduce_min3A_215 = arith.constant dense<0x7F800000> : vector<256xf32>
    %reduce_min3A_216 = vector.multi_reduction <minimumf>, %select_n3A_214, %reduce_min3A_215 [1] : vector<256x16xf32> to vector<256xf32>
    %broadcast_in_dim3A_217 = vector.shape_cast %reduce_min3A_216 : vector<256xf32> to vector<256x1xf32>
    %eq3A_218 = vector.broadcast %broadcast_in_dim3A_217 : vector<256x1xf32> to vector<256x16xf32>
    %eq3A_219 = arith.cmpf oeq, %select_n3A_214, %eq3A_218 : vector<256x16xf32>
    %jit3A_220 = arith.constant 0x7F800000 : f32
    %broadcast_in_dim3A_221 = vector.broadcast %jit3A_220 : f32 to vector<256x16xf32>
    %select_n3A_222 = arith.select %eq3A_219, %broadcast_in_dim3A_221, %select_n3A_206 : vector<256x16xi1>, vector<256x16xf32>
    %reduce_min3A_223 = arith.constant dense<0x7F800000> : vector<256xf32>
    %reduce_min3A_224 = vector.multi_reduction <minimumf>, %select_n3A_222, %reduce_min3A_223 [1] : vector<256x16xf32> to vector<256xf32>
    %broadcast_in_dim3A_225 = vector.shape_cast %reduce_min3A_224 : vector<256xf32> to vector<256x1xf32>
    %eq3A_226 = vector.broadcast %broadcast_in_dim3A_225 : vector<256x1xf32> to vector<256x16xf32>
    %eq3A_227 = arith.cmpf oeq, %select_n3A_222, %eq3A_226 : vector<256x16xf32>
    %jit3A_228 = arith.constant 2.000000e+09 : f32
    %broadcast_in_dim3A_229 = vector.broadcast %jit3A_228 : f32 to vector<256x16xf32>
    %select_n3A_230 = arith.select %eq3A_227, %concatenate3A_174, %broadcast_in_dim3A_229 : vector<256x16xi1>, vector<256x16xf32>
    %reduce_min3A_231 = arith.constant dense<0x7F800000> : vector<256xf32>
    %reduce_min3A_232 = vector.multi_reduction <minimumf>, %select_n3A_230, %reduce_min3A_231 [1] : vector<256x16xf32> to vector<256xf32>
    %broadcast_in_dim3A_233 = vector.shape_cast %reduce_min3A_232 : vector<256xf32> to vector<256x1xf32>
    %eq3A_234 = vector.broadcast %broadcast_in_dim3A_233 : vector<256x1xf32> to vector<256x16xf32>
    %eq3A_235 = arith.cmpf oeq, %select_n3A_230, %eq3A_234 : vector<256x16xf32>
    %jit3A_236 = arith.constant 0x7F800000 : f32
    %broadcast_in_dim3A_237 = vector.broadcast %jit3A_236 : f32 to vector<256x16xf32>
    %select_n3A_238 = arith.select %eq3A_235, %broadcast_in_dim3A_237, %select_n3A_222 : vector<256x16xi1>, vector<256x16xf32>
    %reduce_min3A_239 = arith.constant dense<0x7F800000> : vector<256xf32>
    %reduce_min3A_240 = vector.multi_reduction <minimumf>, %select_n3A_238, %reduce_min3A_239 [1] : vector<256x16xf32> to vector<256xf32>
    %broadcast_in_dim3A_241 = vector.shape_cast %reduce_min3A_240 : vector<256xf32> to vector<256x1xf32>
    %eq3A_242 = vector.broadcast %broadcast_in_dim3A_241 : vector<256x1xf32> to vector<256x16xf32>
    %eq3A_243 = arith.cmpf oeq, %select_n3A_238, %eq3A_242 : vector<256x16xf32>
    %jit3A_244 = arith.constant 2.000000e+09 : f32
    %broadcast_in_dim3A_245 = vector.broadcast %jit3A_244 : f32 to vector<256x16xf32>
    %select_n3A_246 = arith.select %eq3A_243, %concatenate3A_174, %broadcast_in_dim3A_245 : vector<256x16xi1>, vector<256x16xf32>
    %reduce_min3A_247 = arith.constant dense<0x7F800000> : vector<256xf32>
    %reduce_min3A_248 = vector.multi_reduction <minimumf>, %select_n3A_246, %reduce_min3A_247 [1] : vector<256x16xf32> to vector<256xf32>
    %broadcast_in_dim3A_249 = vector.shape_cast %reduce_min3A_248 : vector<256xf32> to vector<256x1xf32>
    %eq3A_250 = vector.broadcast %broadcast_in_dim3A_249 : vector<256x1xf32> to vector<256x16xf32>
    %eq3A_251 = arith.cmpf oeq, %select_n3A_246, %eq3A_250 : vector<256x16xf32>
    %jit3A_252 = arith.constant 0x7F800000 : f32
    %broadcast_in_dim3A_253 = vector.broadcast %jit3A_252 : f32 to vector<256x16xf32>
    %select_n3A_254 = arith.select %eq3A_251, %broadcast_in_dim3A_253, %select_n3A_238 : vector<256x16xi1>, vector<256x16xf32>
    %reduce_min3A_255 = arith.constant dense<0x7F800000> : vector<256xf32>
    %reduce_min3A_256 = vector.multi_reduction <minimumf>, %select_n3A_254, %reduce_min3A_255 [1] : vector<256x16xf32> to vector<256xf32>
    %broadcast_in_dim3A_257 = vector.shape_cast %reduce_min3A_256 : vector<256xf32> to vector<256x1xf32>
    %eq3A_258 = vector.broadcast %broadcast_in_dim3A_257 : vector<256x1xf32> to vector<256x16xf32>
    %eq3A_259 = arith.cmpf oeq, %select_n3A_254, %eq3A_258 : vector<256x16xf32>
    %jit3A_260 = arith.constant 2.000000e+09 : f32
    %broadcast_in_dim3A_261 = vector.broadcast %jit3A_260 : f32 to vector<256x16xf32>
    %select_n3A_262 = arith.select %eq3A_259, %concatenate3A_174, %broadcast_in_dim3A_261 : vector<256x16xi1>, vector<256x16xf32>
    %reduce_min3A_263 = arith.constant dense<0x7F800000> : vector<256xf32>
    %reduce_min3A_264 = vector.multi_reduction <minimumf>, %select_n3A_262, %reduce_min3A_263 [1] : vector<256x16xf32> to vector<256xf32>
    %broadcast_in_dim3A_265 = vector.shape_cast %reduce_min3A_264 : vector<256xf32> to vector<256x1xf32>
    %eq3A_266 = vector.broadcast %broadcast_in_dim3A_265 : vector<256x1xf32> to vector<256x16xf32>
    %eq3A_267 = arith.cmpf oeq, %select_n3A_262, %eq3A_266 : vector<256x16xf32>
    %jit3A_268 = arith.constant 0x7F800000 : f32
    %broadcast_in_dim3A_269 = vector.broadcast %jit3A_268 : f32 to vector<256x16xf32>
    %select_n3A_270 = arith.select %eq3A_267, %broadcast_in_dim3A_269, %select_n3A_254 : vector<256x16xi1>, vector<256x16xf32>
    %reduce_min3A_271 = arith.constant dense<0x7F800000> : vector<256xf32>
    %reduce_min3A_272 = vector.multi_reduction <minimumf>, %select_n3A_270, %reduce_min3A_271 [1] : vector<256x16xf32> to vector<256xf32>
    %broadcast_in_dim3A_273 = vector.shape_cast %reduce_min3A_272 : vector<256xf32> to vector<256x1xf32>
    %eq3A_274 = vector.broadcast %broadcast_in_dim3A_273 : vector<256x1xf32> to vector<256x16xf32>
    %eq3A_275 = arith.cmpf oeq, %select_n3A_270, %eq3A_274 : vector<256x16xf32>
    %jit3A_276 = arith.constant 2.000000e+09 : f32
    %broadcast_in_dim3A_277 = vector.broadcast %jit3A_276 : f32 to vector<256x16xf32>
    %select_n3A_278 = arith.select %eq3A_275, %concatenate3A_174, %broadcast_in_dim3A_277 : vector<256x16xi1>, vector<256x16xf32>
    %reduce_min3A_279 = arith.constant dense<0x7F800000> : vector<256xf32>
    %reduce_min3A_280 = vector.multi_reduction <minimumf>, %select_n3A_278, %reduce_min3A_279 [1] : vector<256x16xf32> to vector<256xf32>
    %broadcast_in_dim3A_281 = vector.shape_cast %reduce_min3A_280 : vector<256xf32> to vector<256x1xf32>
    %eq3A_282 = vector.broadcast %broadcast_in_dim3A_281 : vector<256x1xf32> to vector<256x16xf32>
    %eq3A_283 = arith.cmpf oeq, %select_n3A_278, %eq3A_282 : vector<256x16xf32>
    %jit3A_284 = arith.constant 0x7F800000 : f32
    %broadcast_in_dim3A_285 = vector.broadcast %jit3A_284 : f32 to vector<256x16xf32>
    %select_n3A_286 = arith.select %eq3A_283, %broadcast_in_dim3A_285, %select_n3A_270 : vector<256x16xi1>, vector<256x16xf32>
    %reduce_min3A_287 = arith.constant dense<0x7F800000> : vector<256xf32>
    %reduce_min3A_288 = vector.multi_reduction <minimumf>, %select_n3A_286, %reduce_min3A_287 [1] : vector<256x16xf32> to vector<256xf32>
    %broadcast_in_dim3A_289 = vector.shape_cast %reduce_min3A_288 : vector<256xf32> to vector<256x1xf32>
    %eq3A_290 = vector.broadcast %broadcast_in_dim3A_289 : vector<256x1xf32> to vector<256x16xf32>
    %eq3A_291 = arith.cmpf oeq, %select_n3A_286, %eq3A_290 : vector<256x16xf32>
    %jit3A_292 = arith.constant 2.000000e+09 : f32
    %broadcast_in_dim3A_293 = vector.broadcast %jit3A_292 : f32 to vector<256x16xf32>
    %select_n3A_294 = arith.select %eq3A_291, %concatenate3A_174, %broadcast_in_dim3A_293 : vector<256x16xi1>, vector<256x16xf32>
    %reduce_min3A_295 = arith.constant dense<0x7F800000> : vector<256xf32>
    %reduce_min3A_296 = vector.multi_reduction <minimumf>, %select_n3A_294, %reduce_min3A_295 [1] : vector<256x16xf32> to vector<256xf32>
    %broadcast_in_dim3A_297 = vector.shape_cast %reduce_min3A_296 : vector<256xf32> to vector<256x1xf32>
    %concatenate3A_298 = tpu.concatenate %broadcast_in_dim3A_177, %broadcast_in_dim3A_193, %broadcast_in_dim3A_209, %broadcast_in_dim3A_225, %broadcast_in_dim3A_241, %broadcast_in_dim3A_257, %broadcast_in_dim3A_273, %broadcast_in_dim3A_289 in 1 : vector<256x1xf32>, vector<256x1xf32>, vector<256x1xf32>, vector<256x1xf32>, vector<256x1xf32>, vector<256x1xf32>, vector<256x1xf32>, vector<256x1xf32> -> vector<256x8xf32>
    %swap3A = arith.constant 0 : index
    %swap3A_299 = arith.constant 0 : index
    %swap3A_300 = vector.load %arg9[%swap3A, %swap3A_299] : memref<256x8xf32, #tpu.memory_space<vmem>>, vector<256x8xf32>
    tpu.vector_store %arg9[%swap3A, %swap3A_299], %concatenate3A_298 {strides = array<i32>} : memref<256x8xf32, #tpu.memory_space<vmem>>, vector<256x8xf32>,
    %concatenate3A_301 = tpu.concatenate %broadcast_in_dim3A_185, %broadcast_in_dim3A_201, %broadcast_in_dim3A_217, %broadcast_in_dim3A_233, %broadcast_in_dim3A_249, %broadcast_in_dim3A_265, %broadcast_in_dim3A_281, %broadcast_in_dim3A_297 in 1 : vector<256x1xf32>, vector<256x1xf32>, vector<256x1xf32>, vector<256x1xf32>, vector<256x1xf32>, vector<256x1xf32>, vector<256x1xf32>, vector<256x1xf32> -> vector<256x8xf32>
    %swap3A_302 = arith.constant 0 : index
    %swap3A_303 = arith.constant 0 : index
    %swap3A_304 = vector.load %arg10[%swap3A_302, %swap3A_303] : memref<256x8xf32, #tpu.memory_space<vmem>>, vector<256x8xf32>
    tpu.vector_store %arg10[%swap3A_302, %swap3A_303], %concatenate3A_301 {strides = array<i32>} : memref<256x8xf32, #tpu.memory_space<vmem>>, vector<256x8xf32>,
    %eq3A_305 = arith.constant 9 : i32
    %eq3A_306 = arith.cmpi eq, %arg1, %eq3A_305 : i32
    %convert_element_type3A_307 = arith.extui %eq3A_306 : i1 to i32
    %cond3A_308 = arith.constant 0 : i32
    %cond3A_309 = arith.cmpi ne, %convert_element_type3A_307, %cond3A_308 : i32
    scf.if %cond3A_309 {
      %get3A_310 = arith.constant 0 : index
      %get3A_311 = arith.constant 0 : index
      %get3A_312 = vector.load %arg10[%get3A_310, %get3A_311] : memref<256x8xf32, #tpu.memory_space<vmem>>, vector<256x8xf32>
      %convert_element_type3A_313 = arith.fptosi %get3A_312 : vector<256x8xf32> to vector<256x8xi32>
      %swap3A_314 = arith.constant 0 : index
      %swap3A_315 = arith.constant 0 : index
      %swap3A_316 = vector.load %arg8[%swap3A_314, %swap3A_315] : memref<256x8xi32, #tpu.memory_space<vmem>>, vector<256x8xi32>
      tpu.vector_store %arg8[%swap3A_314, %swap3A_315], %convert_element_type3A_313 {strides = array<i32>} : memref<256x8xi32, #tpu.memory_space<vmem>>, vector<256x8xi32>,
    } else {
    }
    return
  }
  func.func @transform_0(%arg0: i32, %arg1: i32) -> (i32, i32) {
    %c0_i32 = arith.constant 0 : i32
    %c0_i32_0 = arith.constant 0 : i32
    return %arg0, %c0_i32 : i32, i32
  }
  func.func @transform_1(%arg0: i32, %arg1: i32) -> (i32, i32) {
    %c0_i32 = arith.constant 0 : i32
    %c0_i32_0 = arith.constant 0 : i32
    return %arg1, %c0_i32 : i32, i32
  }
  func.func @transform_2(%arg0: i32, %arg1: i32) -> (i32, i32) {
    %c0_i32 = arith.constant 0 : i32
    %c0_i32_0 = arith.constant 0 : i32
    return %arg0, %c0_i32 : i32, i32
  }
  func.func @transform_3(%arg0: i32, %arg1: i32) -> (i32, i32) {
    %c0_i32 = arith.constant 0 : i32
    %c0_i32_0 = arith.constant 0 : i32
    return %c0_i32, %arg1 : i32, i32
  }
  func.func @transform_4(%arg0: i32, %arg1: i32) -> (i32, i32) {
    %c0_i32 = arith.constant 0 : i32
    %c0_i32_0 = arith.constant 0 : i32
    return %arg0, %c0_i32 : i32, i32
  }
  func.func @transform_5(%arg0: i32, %arg1: i32) -> (i32, i32) {
    %c0_i32 = arith.constant 0 : i32
    %c0_i32_0 = arith.constant 0 : i32
    return %c0_i32, %arg1 : i32, i32
  }
  func.func @transform_6(%arg0: i32, %arg1: i32) -> (i32, i32) {
    %c0_i32 = arith.constant 0 : i32
    %c0_i32_0 = arith.constant 0 : i32
    return %arg0, %c0_i32 : i32, i32
  }
}

</mosaic_0001>

<sc_bundles>
// kernel: kernel.11.cloned.1.call-start
scs
__scs_entry_jumppad:
0x0: {  	(pc) =	sbr.rel $0x88, $3  }
0x1: {  	(tag) =	ssettag $0x0;
	lr =	simm.s32 $0x1  }
0x2: {  	[smem:$0x3F78] =	sst lr;
	_ =	strace $0xD0000000  }
0x3: {  	_ = 	snop  }
0x4: {  	_ = 	snop  }
0x5: {  	_ = 	snop  }
0x6: {  	_ = 	snop  }
0x7: {  	_ = 	snop  }
__scs_overlays_trampoline_lowered:
0x8: {  	[smem:$0x3F87] =	sst s0  }
0x9: {  	[smem:$0x3F88] =	sst s1  }
0xa: {  	[smem:$0x3F89] =	sst s2  }
0xb: {  	[smem:$0x3F8A] =	sst s3  }
0xc: {  	[smem:$0x3F8B] =	sst s4  }
0xd: {  	[smem:$0x3F8C] =	sst s5  }
0xe: {  	[smem:$0x3F8D] =	sst s6  }
0xf: {  	[smem:$0x3F8E] =	sst s7  }
0x10: {  	[smem:$0x3F8F] =	sst s8  }
0x11: {  	[smem:$0x3F90] =	sst s9;
	s0 =	simm.s32 @!p0 $0x0  }
0x12: {  	s1 =	sld [smem:$0x3F76];
	s0 =	simm.s32 @p0 $0x1  }
0x13: {  	[smem:$0x3F91] =	sst s0;
	s0 =	simm.s32 @!p1 $0x0  }
0x14: {  	s2 =	sld [smem:$0x3F75];
	s0 =	simm.s32 @p1 $0x1  }
0x15: {  	[smem:$0x3F92] =	sst s0;
	s0 =	simm.s32 @!p2 $0x0  }
0x16: {  	s3 =	sld [smem:$0x3FDB];
	s0 =	simm.s32 @p2 $0x1  }
0x17: {  	s4 =	simm.s32 $0x1BF5;
	[smem:$0x3F94] =	sst s0  }
0x18: {  	s0 =	sld [smem:$0x3F77];
	_ =	swait.ge [sflag:s4], $0x0  }
0x19: {  	s7 =	sld [smem:$0x3F78]  }
0x1a: {  	s8 =	sadd.s32 $0xFFFFE003, lr  }
0x1b: {  	s9 =	sadd.s32 $0xFFFFFEF7, lr;
	s5 =	simm.s32 $0xFFFFFFFF;
	p2 =	slt.u32 s8, $0xFFFFF086  }
0x1c: {  	p1 =	slt.u32 s9, $0xF7A;
	s5 =	simm.s32 @!p2 $0x0  }
0x1d: {  	s5 =	simm.s32 @p1 $0x1;
	p0 =	seq.s32 s7, s2  }
0x1e: {  	s7 =	smul.u32 @!p0 $0xF7A, s2;
	p2 =	seq.s32 @!p0 s5, $0x0  }
0x1f: {  	s9 =	smul.u32 $0xF7A, s1;
	s8 =	simm.s32 @!p0 $0x1BF5;
	p2 =	por !p2, p0  }
0x20: {  	[sflag:s8] =	ssyncset.s32 @!p0 $0xFFFFF086;
	s6 =	sadd.s32 @!p0 s3, s7;
	s7 =	simm.s32 @!p0 $0x108  }
0x21: {  	s3 =	sadd.s32 s3, s9;
	s6 =	sadd.s32 @!p0 $0x88, s6;
	s7 =	simm.s32 @p2 $0x1082  }
0x22: {  	[simem:s7], [sflag:s8] =	dma.local @!p0 [hbm:s6], $0xF7A  }
0x23: {  	s9 =	sor.u32 $0xD0000000, s2;
	s6 =	simm.s32 $0x108;
	_ =	swait.ge @!p0 [sflag:s8], $0x0  }
0x24: {  	s3 =	sadd.s32 $0x88, s3;
	s6 =	simm.s32 @!p1 $0x1082;
	[sflag:s4] =	ssyncset.s32 $0xFFFFF086  }
0x25: {  	[simem:s6], [sflag:s4] =	dma.local [hbm:s3], $0xF7A  }
0x26: {  	[smem:$0x3F78] =	sst s1;
	(tag) =	ssettag s2;
	_ =	strace s9  }
0x27: {  	s1 =	sld [smem:$0x3F88]  }
0x28: {  	s2 =	sld [smem:$0x3F89]  }
0x29: {  	s4 =	sld [smem:$0x3F8B]  }
0x2a: {  	p0 =	seq.s32 s5, $0x0;
	s5 =	sld [smem:$0x3F8C]  }
0x2b: {  	s6 =	sld [smem:$0x3F8D]  }
0x2c: {  	s7 =	sld [smem:$0x3F8E]  }
0x2d: {  	s3 =	simm.s32 $0x108;
	s8 =	sld [smem:$0x3F8F]  }
0x2e: {  	s3 =	simm.s32 @!p0 $0x1082;
	s9 =	sld [smem:$0x3F90]  }
0x2f: {  	lr =	sadd.s32 s0, s3;
	s0 =	sld [smem:$0x3F87]  }
0x30: {  	s3 =	sld [smem:$0x3F8A]  }
0x31: {  	[smem:$0x3F93] =	sst s10  }
0x32: {  	s10 =	sld [smem:$0x3F91];
	_ =	sdelay $0x3  }
0x33: {  	p0 =	seq.s32 s10, $0x1;
	s10 =	sld [smem:$0x3F93];
	_ =	sdelay $0x3  }
0x34: {  	[smem:$0x3F93] =	sst s10  }
0x35: {  	s10 =	sld [smem:$0x3F92];
	_ =	sdelay $0x3  }
0x36: {  	p1 =	seq.s32 s10, $0x1;
	s10 =	sld [smem:$0x3F93];
	_ =	sdelay $0x3  }
0x37: {  	[smem:$0x3F93] =	sst s10  }
0x38: {  	s10 =	sld [smem:$0x3F94]  }
0x39: {  	_ = 	snop;
	(pc) =	sbr.ind lr, $3  }
0x3a: {  	_ = 	snop  }
0x3b: {  	_ = 	snop  }
0x3c: {  	p2 =	seq.s32 s10, $0x1;
	s10 =	sld [smem:$0x3F93]  }
0x3d: {  	_ =	shalt  }
0x3e: {  	_ =	shalt  }
0x3f: {  	_ =	shalt  }
0x40: {  	_ =	shalt  }
0x41: {  	_ =	shalt  }
0x42: {  	_ =	shalt  }
0x43: {  	_ =	shalt  }
0x44: {  	_ =	shalt  }
0x45: {  	_ =	shalt  }
0x46: {  	_ =	shalt  }
0x47: {  	_ =	shalt  }
0x48: {  	_ =	shalt  }
0x49: {  	_ =	shalt  }
0x4a: {  	_ =	shalt  }
0x4b: {  	_ =	shalt  }
0x4c: {  	_ =	shalt  }
0x4d: {  	_ =	shalt  }
0x4e: {  	_ =	shalt  }
0x4f: {  	_ =	shalt  }
0x50: {  	_ =	shalt  }
0x51: {  	_ =	shalt  }
0x52: {  	_ =	shalt  }
0x53: {  	_ =	shalt  }
0x54: {  	_ =	shalt  }
0x55: {  	_ =	shalt  }
0x56: {  	_ =	shalt  }
0x57: {  	_ =	shalt  }
0x58: {  	_ =	shalt  }
0x59: {  	_ =	shalt  }
0x5a: {  	_ =	shalt  }
0x5b: {  	_ =	shalt  }
0x5c: {  	_ =	shalt  }
0x5d: {  	_ =	shalt  }
0x5e: {  	_ =	shalt  }
0x5f: {  	_ =	shalt  }
0x60: {  	_ =	shalt  }
0x61: {  	_ =	shalt  }
0x62: {  	_ =	shalt  }
0x63: {  	_ =	shalt  }
0x64: {  	_ =	shalt  }
0x65: {  	_ =	shalt  }
0x66: {  	_ =	shalt  }
0x67: {  	_ =	shalt  }
0x68: {  	_ =	shalt  }
0x69: {  	_ =	shalt  }
0x6a: {  	_ =	shalt  }
0x6b: {  	_ =	shalt  }
0x6c: {  	_ =	shalt  }
0x6d: {  	_ =	shalt  }
0x6e: {  	_ =	shalt  }
0x6f: {  	_ =	shalt  }
0x70: {  	_ =	shalt  }
0x71: {  	_ =	shalt  }
0x72: {  	_ =	shalt  }
0x73: {  	_ =	shalt  }
0x74: {  	_ =	shalt  }
0x75: {  	_ =	shalt  }
0x76: {  	_ =	shalt  }
0x77: {  	_ =	shalt  }
0x78: {  	_ =	shalt  }
0x79: {  	_ =	shalt  }
0x7a: {  	_ =	shalt  }
0x7b: {  	_ =	shalt  }
0x7c: {  	_ =	shalt  }
0x7d: {  	_ =	shalt  }
0x7e: {  	_ =	shalt  }
0x7f: {  	_ =	shalt  }
0x80: {  	_ =	shalt  }
0x81: {  	_ =	shalt  }
0x82: {  	_ =	shalt  }
0x83: {  	_ =	shalt  }
0x84: {  	_ =	shalt  }
0x85: {  	_ =	shalt  }
0x86: {  	_ =	shalt  }
0x87: {  	_ =	shalt  }
.Lfunc_end0:
.L_simem_size_0:
called_computation.1_lowered:
.L_overlay_start_0:
0x88: {  	s2 =	sld [smem:$0x3FD9]  }
0x89: {  	s3 =	sld [smem:$0x3FFE];
	_ =	sdelay $0x1  }
0x8a: {  	s1 =	srdreg.scid  }
0x8b: {  	s0 =	sand.u32 $0x1, s1  }
0x8c: {  	s16 =	sshll.u32 s0, $0xA;
	s2 =	sadd.s32 s3, s2  }
0x8d: {  	s2 =	sadd.s32 s2, s16  }
0x8e: {  	[smem:$0x3F9F] =	sst s2  }
0x8f: {  	_ = 	snop  }
0x90: {  	(tm) =	ssettm $0x1  }
0x91: {  	s17 =	sld [smem:$0x3FFB];
	_ =	sdelay $0x3  }
0x92: {  	_ =	strace s17  }
0x93: {  	s2 =	sld [smem:$0x3FFC];
	_ =	sdelay $0x3  }
0x94: {  	_ =	strace s2  }
0x95: {  	s2 =	sld [smem:$0x3FFD];
	_ =	sdelay $0x3  }
0x96: {  	_ =	strace s2  }
0x97: {  	_ =	strace $0x8FFFFFFF  }
0x98: {  	s18 =	sld [smem:$0x3FDB];
	_ =	sdelay $0x1  }
0x99: {  	s19 =	simm.s32 $_scs_section_size  }
0x9a: {  	s4 =	simm.s32 $_size__tile_overlayer_lowered;
	s5 =	simm.s32 $_tile_overlayer_lowered  }
0x9b: {  	s22 =	simm.s32 $0x1BFF;
	s21 =	sshll.u32 s5, $0x1;
	s2 =	sadd.s32 s19, s18  }
0x9c: {  	s6 =	simm.s32 $0x0;
	s20 =	sshll.u32 s4, $0x1;
	s4 =	sadd.s32 s21, s2  }
0x9d: {  	[timem:s6], [sflag:s22] =	dma.local [hbm:s4], s20  }
0x9e: {  	_ =	swait.ge [sflag:s22], s20  }
0x9f: {  	s3 =	ssub.s32 $0x0, s20;
	[sflag:s22] =	ssyncset.done $0x0  }
0xa0: {  	[sflag:s22] =	ssyncadd.s32 s3;
	_ =	sdelay $0x1  }
0xa1: {  	s23 =	simm.s32 $0x1B8B  }
0xa2: {  	_ =	swait.ge [sflag:s23], $0x1  }
0xa3: {  	[sflag:s23] =	ssyncset.done $0x0  }
0xa4: {  	s25 =	simm.s32 $0x1B8E;
	s24 =	sld [smem:$0x3FFE];
	[sflag:s23] =	ssyncadd.s32 $0xFFFFFFFF  }
0xa5: {  	s26 =	simm.s32 $execute0_lowered;
	[smem:$0x3FD2] =	sst s25  }
0xa6: {  	s4 =	sshll.u32 s26, $0x1;
	_ =	strace $0x80000049;
	[dreg:$0x1] =	wrdreg $0xFFFFFFFF  }
0xa7: {  	s28 =	simm.s32 $_size_execute0_lowered;
	s2 =	sadd.s32 s2, s4;
	[dreg:$0x0] =	wrdreg $0x0  }
0xa8: {  	s4 =	sshll.u32 s28, $0x1;
	[dreg:$0x2] =	wrdreg s2  }
0xa9: {  	[dreg:$0x3] =	wrdreg s4  }
0xaa: {  	[dreg:$0x4] =	wrdreg $0xC0  }
0xab: {  	_ =	task [dreg:s6], $0x5FFFF  }
0xac: {  	[dreg:$0x1] =	wrdreg $0xFFFFFFFF  }
0xad: {  	[dreg:$0x0] =	wrdreg $0x60  }
0xae: {  	[dreg:$0x2] =	wrdreg s24  }
0xaf: {  	[dreg:$0x3] =	wrdreg $0x9  }
0xb0: {  	_ =	task.clear_ibuf [dreg:s6], $0x4FFFF;
	_ =	strace $0x90000049  }
0xb1: {  	s29 =	simm.s32 $0x9;
	_ =	strace $0x8000004B  }
0xb2: {  	_ =	swait.ge [sflag:s29], $0x1  }
0xb3: {  	[sflag:s29] =	ssyncadd.s32 $0xFFFFFFFF  }
0xb4: {  	_ =	strace $0x9000004B  }
0xb5: {  	_ =	sfence  }
0xb6: {  	s30 =	sld [smem:$0x0];
	_ =	sdelay $0x2  }
0xb7: {  	s31 =	sshll.u32 s1, $0xD;
	s1 =	sshrl.u32 s1, $0x2  }
0xb8: {  	s3 =	sand.u32 $0x4000, s31;
	s1 =	sadd.s32 s1, s30  }
0xb9: {  	s0 =	sor.u32 s3, s0;
	s1 =	sshll.u32 s1, $0x11  }
0xba: {  	s0 =	sor.u32 s1, s0  }
0xbb: {  	s0 =	sadd.s32 $0x8F2B, s0  }
0xbc: {  	[sflag:s0] =	ssyncadd.remote.s32 $0x1  }
0xbd: {  	_ =	sfence.sel $0xFFFF  }
0xbe: {  	[dreg:$0x0] =	wrdreg $0xFFFFFFFF;
	(pc) =	sbr.abs _section_cstart, $3  }
0xbf: {  	[dreg:$0x1] =	wrdreg $0xFFFFFFFF  }
0xc0: {  	_ =	task.clear_ibuf [dreg:s6], $0x2FFFF;
	_ =	strace $0x9FFFFFFF  }
0xc1: {  	(tm) =	ssettm $0x7FFFFFFF  }
tec
execute0_lowered:
.L_overlay_start_1:
0x0: {  	(tag) =	ssettag $0x1  }
0x1: {  	s1 =	srdreg.scid;
	s0 =	stileid.u32  }
0x2: {  	s15 =	sand.u32 $0x1, s1;
	s29 =	sshll.u32 s0, $0x1  }
0x3: {  	s9 =	sor.u32 s15, s29  }
0x4: {  	s2 =	rddreg [dreg:$0x0];
	s14 =	smul.u32 $0x9E0, s9  }
0x5: {  	s3 =	simm.s32 $0x0;
	s1 =	rddreg [dreg:$0x1]  }
0x6: {  	[smem:$0x7FF] =	sst s3;
	s16 =	sadd.s32 $0x52000, s2;
	s4 =	sshrl.u32 s14, $0x3  }
0x7: {  	_ =	strace $0x8000004A;
	s5 =	sadd.s32 s16, s4;
	s4 =	simm.s32 $0x2  }
0x8: {  	[tilespmem:s3], [sflag:$0x2] =	stream.linear.gather [hbm4b:s5+s3], $0x278, $0x38;
	[tilespmem:$0x13E80] =	vst v63  }
0x9: {  	_ =	swait.ge [sflag:s4], $0x278  }
0xa: {  	s6 =	simm.s32 $0x278;
	[sflag:s4] =	ssyncset.done $0x0  }
0xb: {  	s7 =	simm.s32 $0x280;
	s8 =	simm.s32 $0x1;
	[sflag:s4] =	ssyncadd.s32 $0xFFFFFD88  }
0xc: {  	[tilespmem:s7], [sflag:$0x1] =	stream.indirect.gather [hbm4b:s2+s6], $0x80, s3, s6, $0xb8;
	[tilespmem:$0x13E80] =	vst v63  }
0xd: {  	s9 =	smul.u32 $0x9E00, s9;
	_ =	swait.ge [sflag:s8], $0x13C00  }
0xe: {  	s17 =	sadd.s32 $0x54800, s2;
	[sflag:s8] =	ssyncset.done $0x0  }
0xf: {  	s9 =	sadd.s32 s17, s9;
	[sflag:s8] =	ssyncadd.s32 $0xFFFEC400  }
0x10: {  	[hbm4b:s9+s3] =	stream.linear.scatter [tilespmem:s7], [sflag:$0x2], $0x13C00, $0x38;
	[tilespmem:$0x13E80] =	vst v63  }
0x11: {  	s11 =	sadd.s32 $0x278, s14;
	_ =	swait.ge [sflag:s4], $0x13C00  }
0x12: {  	s10 =	sshrl.u32 s11, $0x3;
	[sflag:s4] =	ssyncset.done $0x0  }
0x13: {  	s10 =	sadd.s32 s16, s10;
	[sflag:s4] =	ssyncadd.s32 $0xFFFEC400  }
0x14: {  	[tilespmem:s3], [sflag:$0x2] =	stream.linear.gather [hbm4b:s10+s3], $0x278, $0x38;
	[tilespmem:$0x13E80] =	vst v63  }
0x15: {  	_ =	swait.ge [sflag:s4], $0x278  }
0x16: {  	[sflag:s4] =	ssyncset.done $0x0  }
0x17: {  	[sflag:s4] =	ssyncadd.s32 $0xFFFFFD88  }
0x18: {  	[tilespmem:s7], [sflag:$0x1] =	stream.indirect.gather [hbm4b:s2+s6], $0x80, s3, s6, $0xb8;
	[tilespmem:$0x13E80] =	vst v63  }
0x19: {  	_ =	swait.ge [sflag:s8], $0x13C00  }
0x1a: {  	s11 =	sshll.u32 s11, $0x4;
	[sflag:s8] =	ssyncset.done $0x0  }
0x1b: {  	s11 =	sadd.s32 s17, s11;
	[sflag:s8] =	ssyncadd.s32 $0xFFFEC400  }
0x1c: {  	[hbm4b:s11+s3] =	stream.linear.scatter [tilespmem:s7], [sflag:$0x2], $0x13C00, $0x38;
	[tilespmem:$0x13E80] =	vst v63  }
0x1d: {  	s13 =	sadd.s32 $0x4F0, s14;
	_ =	swait.ge [sflag:s4], $0x13C00  }
0x1e: {  	s12 =	sshrl.u32 s13, $0x3;
	[sflag:s4] =	ssyncset.done $0x0  }
0x1f: {  	s12 =	sadd.s32 s16, s12;
	[sflag:s4] =	ssyncadd.s32 $0xFFFEC400  }
0x20: {  	[tilespmem:s3], [sflag:$0x2] =	stream.linear.gather [hbm4b:s12+s3], $0x278, $0x38;
	[tilespmem:$0x13E80] =	vst v63  }
0x21: {  	_ =	swait.ge [sflag:s4], $0x278  }
0x22: {  	[sflag:s4] =	ssyncset.done $0x0  }
0x23: {  	[sflag:s4] =	ssyncadd.s32 $0xFFFFFD88  }
0x24: {  	[tilespmem:s7], [sflag:$0x1] =	stream.indirect.gather [hbm4b:s2+s6], $0x80, s3, s6, $0xb8;
	[tilespmem:$0x13E80] =	vst v63  }
0x25: {  	_ =	swait.ge [sflag:s8], $0x13C00  }
0x26: {  	s13 =	sshll.u32 s13, $0x4;
	[sflag:s8] =	ssyncset.done $0x0  }
0x27: {  	s13 =	sadd.s32 s17, s13;
	[sflag:s8] =	ssyncadd.s32 $0xFFFEC400  }
0x28: {  	[hbm4b:s13+s3] =	stream.linear.scatter [tilespmem:s7], [sflag:$0x2], $0x13C00, $0x38;
	[tilespmem:$0x13E80] =	vst v63  }
0x29: {  	s18 =	sadd.s32 $0x768, s14;
	_ =	swait.ge [sflag:s4], $0x13C00  }
0x2a: {  	s14 =	sshrl.u32 s18, $0x3;
	[sflag:s4] =	ssyncset.done $0x0  }
0x2b: {  	s15 =	ssub.s32 $0x2, s15;
	s14 =	sadd.s32 s16, s14;
	[sflag:s4] =	ssyncadd.s32 $0xFFFEC400  }
0x2c: {  	[tilespmem:s3], [sflag:$0x2] =	stream.linear.gather [hbm4b:s14+s3], $0x278, $0x38;
	[tilespmem:$0x13E80] =	vst v63  }
0x2d: {  	s30 =	sshrl.u32 s15, $0x1;
	_ =	swait.ge [sflag:s4], $0x278  }
0x2e: {  	s16 =	ssub.s32 s15, s30;
	[sflag:s4] =	ssyncset.done $0x0  }
0x2f: {  	s16 =	smax.u32 s16, $0x1;
	[sflag:s4] =	ssyncadd.s32 $0xFFFFFD88  }
0x30: {  	[tilespmem:s7], [sflag:$0x1] =	stream.indirect.gather [hbm4b:s2+s6], $0x80, s3, s6, $0xb8;
	[tilespmem:$0x13E80] =	vst v63  }
0x31: {  	p0 =	sne.s32 s16, $0x1;
	_ =	swait.ge [sflag:s8], $0x13C00  }
.Ltmp0:
0x32: {  	s31 =	sshll.u32 s18, $0x4;
	[sflag:s8] =	ssyncset.done $0x0;
	(pc) =	sbr.rel @!p0 .LBB2_2-.Ltmp0, $4  }
0x33: {  	s15 =	sadd.s32 s17, s31;
	[sflag:s8] =	ssyncadd.s32 $0xFFFEC400  }
0x34: {  	[hbm4b:s15+s3] =	stream.linear.scatter [tilespmem:s7], [sflag:$0x2], $0x13C00, $0x38;
	[tilespmem:$0x13E80] =	vst v63  }
0x35: {  	_ =	swait.ge [sflag:s4], $0x13C00  }
0x36: {  	s16 =	sadd.s32 $0xFFFFFFFF, s16;
	[sflag:s4] =	ssyncset.done $0x0  }
.LBB2_1:
0x37: {  	p0 =	sne.s32 s16, $0x1;
	s16 =	sadd.s32 $0xFFFFFFFF, s16;
	[sflag:s4] =	ssyncadd.s32 $0xFFFEC400  }
0x38: {  	[tilespmem:s3], [sflag:$0x2] =	stream.linear.gather [hbm4b:s5+s3], $0x278, $0x38;
	[tilespmem:$0x13E80] =	vst v63  }
0x39: {  	_ =	swait.ge [sflag:s4], $0x278  }
0x3a: {  	[sflag:s4] =	ssyncset.done $0x0  }
0x3b: {  	[sflag:s4] =	ssyncadd.s32 $0xFFFFFD88  }
0x3c: {  	[tilespmem:s7], [sflag:$0x1] =	stream.indirect.gather [hbm4b:s2+s6], $0x80, s3, s6, $0xb8;
	[tilespmem:$0x13E80] =	vst v63  }
0x3d: {  	_ =	swait.ge [sflag:s8], $0x13C00  }
0x3e: {  	[sflag:s8] =	ssyncset.done $0x0  }
0x3f: {  	[sflag:s8] =	ssyncadd.s32 $0xFFFEC400  }
0x40: {  	[hbm4b:s9+s3] =	stream.linear.scatter [tilespmem:s7], [sflag:$0x2], $0x13C00, $0x38;
	[tilespmem:$0x13E80] =	vst v63  }
0x41: {  	_ =	swait.ge [sflag:s4], $0x13C00  }
0x42: {  	[sflag:s4] =	ssyncset.done $0x0  }
0x43: {  	[sflag:s4] =	ssyncadd.s32 $0xFFFEC400  }
0x44: {  	[tilespmem:s3], [sflag:$0x2] =	stream.linear.gather [hbm4b:s10+s3], $0x278, $0x38;
	[tilespmem:$0x13E80] =	vst v63  }
0x45: {  	_ =	swait.ge [sflag:s4], $0x278  }
0x46: {  	[sflag:s4] =	ssyncset.done $0x0  }
0x47: {  	[sflag:s4] =	ssyncadd.s32 $0xFFFFFD88  }
0x48: {  	[tilespmem:s7], [sflag:$0x1] =	stream.indirect.gather [hbm4b:s2+s6], $0x80, s3, s6, $0xb8;
	[tilespmem:$0x13E80] =	vst v63  }
0x49: {  	_ =	swait.ge [sflag:s8], $0x13C00  }
0x4a: {  	[sflag:s8] =	ssyncset.done $0x0  }
0x4b: {  	[sflag:s8] =	ssyncadd.s32 $0xFFFEC400  }
0x4c: {  	[hbm4b:s11+s3] =	stream.linear.scatter [tilespmem:s7], [sflag:$0x2], $0x13C00, $0x38;
	[tilespmem:$0x13E80] =	vst v63  }
0x4d: {  	_ =	swait.ge [sflag:s4], $0x13C00  }
0x4e: {  	[sflag:s4] =	ssyncset.done $0x0  }
0x4f: {  	[sflag:s4] =	ssyncadd.s32 $0xFFFEC400  }
0x50: {  	[tilespmem:s3], [sflag:$0x2] =	stream.linear.gather [hbm4b:s12+s3], $0x278, $0x38;
	[tilespmem:$0x13E80] =	vst v63  }
0x51: {  	_ =	swait.ge [sflag:s4], $0x278  }
0x52: {  	[sflag:s4] =	ssyncset.done $0x0  }
0x53: {  	[sflag:s4] =	ssyncadd.s32 $0xFFFFFD88  }
0x54: {  	[tilespmem:s7], [sflag:$0x1] =	stream.indirect.gather [hbm4b:s2+s6], $0x80, s3, s6, $0xb8;
	[tilespmem:$0x13E80] =	vst v63  }
0x55: {  	_ =	swait.ge [sflag:s8], $0x13C00  }
0x56: {  	[sflag:s8] =	ssyncset.done $0x0  }
0x57: {  	[sflag:s8] =	ssyncadd.s32 $0xFFFEC400  }
0x58: {  	[hbm4b:s13+s3] =	stream.linear.scatter [tilespmem:s7], [sflag:$0x2], $0x13C00, $0x38;
	[tilespmem:$0x13E80] =	vst v63  }
0x59: {  	_ =	swait.ge [sflag:s4], $0x13C00  }
0x5a: {  	[sflag:s4] =	ssyncset.done $0x0  }
0x5b: {  	[sflag:s4] =	ssyncadd.s32 $0xFFFEC400  }
0x5c: {  	[tilespmem:s3], [sflag:$0x2] =	stream.linear.gather [hbm4b:s14+s3], $0x278, $0x38;
	[tilespmem:$0x13E80] =	vst v63  }
0x5d: {  	_ =	swait.ge [sflag:s4], $0x278  }
0x5e: {  	[sflag:s4] =	ssyncset.done $0x0  }
0x5f: {  	[sflag:s4] =	ssyncadd.s32 $0xFFFFFD88  }
0x60: {  	[tilespmem:s7], [sflag:$0x1] =	stream.indirect.gather [hbm4b:s2+s6], $0x80, s3, s6, $0xb8;
	[tilespmem:$0x13E80] =	vst v63  }
0x61: {  	_ =	swait.ge [sflag:s8], $0x13C00  }
.Ltmp1:
0x62: {  	[sflag:s8] =	ssyncset.done $0x0;
	(pc) =	sbr.rel @p0 .LBB2_1-.Ltmp1, $4  }
0x63: {  	[sflag:s8] =	ssyncadd.s32 $0xFFFEC400  }
0x64: {  	[hbm4b:s15+s3] =	stream.linear.scatter [tilespmem:s7], [sflag:$0x2], $0x13C00, $0x38;
	[tilespmem:$0x13E80] =	vst v63  }
0x65: {  	_ =	swait.ge [sflag:s4], $0x13C00  }
0x66: {  	[sflag:s4] =	ssyncset.done $0x0  }
.LBB2_2:
0x67: {  	[sflag:s4] =	ssyncadd.s32 $0xFFFEC400  }
0x68: {  	_ =	sfence.sel $0x180000  }
0x69: {  	[bflag:$0x0] =	sbarrier.arrive $0xFFFF  }
0x6a: {  	p0 =	sne.s32 s0, $0x0;
	_ =	strace $0x9000004A  }
0x6b: {  	s0 =	sadd.s32 @!p0 $0x100000, s1;
	[bflag:$0x2] =	sbarrier.arrive $0xFFFF  }
0x6c: {  	[sflag:s0] =	ssyncadd.tile.s32 @!p0 $0x1;
	_ =	shalt  }
.Lfunc_end2:
_tile_overlayer_lowered:
.L_overlay_start_2:
0x6d: {  	(tag) =	ssettag $0x2  }
0x6e: {  	s0 =	rddreg [dreg:$0x0];
	s2 =	stileid.u32  }
0x6f: {  	s1 =	rddreg [dreg:$0x1];
	p0 =	sne.s32 s2, $0x0  }
0x70: {  	s3 =	rddreg [dreg:$0x2];
	[bflag:$0x3] =	sbarrier.arrive $0xFFFF;
	s2 =	simm.s32 @!p0 $0x1C02  }
0x71: {  	[timem:s3], [sflag:s2] =	dma.local @!p0 [hbm:s0], s1  }
0x72: {  	s0 =	simm.s32 @!p0 $0x2  }
0x73: {  	_ =	swait.ge @!p0 [sflag:s0], s1  }
0x74: {  	s1 =	ssub.s32 @!p0 $0x0, s1;
	[sflag:s0] =	ssyncset.done @!p0 $0x0  }
0x75: {  	[sflag:s0] =	ssyncadd.s32 @!p0 s1  }
0x76: {  	[bflag:$0x3] =	sbarrier.arrive $0xFFFF  }
0x77: {  	_ =	shalt  }

// kernel: kernel.14.cloned.1.call-start
scs
__scs_entry_jumppad:
0x0: {  	(pc) =	sbr.rel $0x88, $3  }
0x1: {  	(tag) =	ssettag $0x0;
	lr =	simm.s32 $0x1  }
0x2: {  	[smem:$0x3F78] =	sst lr;
	_ =	strace $0xD0000000  }
0x3: {  	_ = 	snop  }
0x4: {  	_ = 	snop  }
0x5: {  	_ = 	snop  }
0x6: {  	_ = 	snop  }
0x7: {  	_ = 	snop  }
__scs_overlays_trampoline_lowered:
0x8: {  	[smem:$0x3F87] =	sst s0  }
0x9: {  	[smem:$0x3F88] =	sst s1  }
0xa: {  	[smem:$0x3F89] =	sst s2  }
0xb: {  	[smem:$0x3F8A] =	sst s3  }
0xc: {  	[smem:$0x3F8B] =	sst s4  }
0xd: {  	[smem:$0x3F8C] =	sst s5  }
0xe: {  	[smem:$0x3F8D] =	sst s6  }
0xf: {  	[smem:$0x3F8E] =	sst s7  }
0x10: {  	[smem:$0x3F8F] =	sst s8  }
0x11: {  	[smem:$0x3F90] =	sst s9;
	s0 =	simm.s32 @!p0 $0x0  }
0x12: {  	s1 =	sld [smem:$0x3F76];
	s0 =	simm.s32 @p0 $0x1  }
0x13: {  	[smem:$0x3F91] =	sst s0;
	s0 =	simm.s32 @!p1 $0x0  }
0x14: {  	s2 =	sld [smem:$0x3F75];
	s0 =	simm.s32 @p1 $0x1  }
0x15: {  	[smem:$0x3F92] =	sst s0;
	s0 =	simm.s32 @!p2 $0x0  }
0x16: {  	s3 =	sld [smem:$0x3FDB];
	s0 =	simm.s32 @p2 $0x1  }
0x17: {  	s4 =	simm.s32 $0x1BF5;
	[smem:$0x3F94] =	sst s0  }
0x18: {  	s0 =	sld [smem:$0x3F77];
	_ =	swait.ge [sflag:s4], $0x0  }
0x19: {  	s7 =	sld [smem:$0x3F78]  }
0x1a: {  	s8 =	sadd.s32 $0xFFFFE003, lr  }
0x1b: {  	s9 =	sadd.s32 $0xFFFFFEF7, lr;
	s5 =	simm.s32 $0xFFFFFFFF;
	p2 =	slt.u32 s8, $0xFFFFF086  }
0x1c: {  	p1 =	slt.u32 s9, $0xF7A;
	s5 =	simm.s32 @!p2 $0x0  }
0x1d: {  	s5 =	simm.s32 @p1 $0x1;
	p0 =	seq.s32 s7, s2  }
0x1e: {  	s7 =	smul.u32 @!p0 $0xF7A, s2;
	p2 =	seq.s32 @!p0 s5, $0x0  }
0x1f: {  	s9 =	smul.u32 $0xF7A, s1;
	s8 =	simm.s32 @!p0 $0x1BF5;
	p2 =	por !p2, p0  }
0x20: {  	[sflag:s8] =	ssyncset.s32 @!p0 $0xFFFFF086;
	s6 =	sadd.s32 @!p0 s3, s7;
	s7 =	simm.s32 @!p0 $0x108  }
0x21: {  	s3 =	sadd.s32 s3, s9;
	s6 =	sadd.s32 @!p0 $0x88, s6;
	s7 =	simm.s32 @p2 $0x1082  }
0x22: {  	[simem:s7], [sflag:s8] =	dma.local @!p0 [hbm:s6], $0xF7A  }
0x23: {  	s9 =	sor.u32 $0xD0000000, s2;
	s6 =	simm.s32 $0x108;
	_ =	swait.ge @!p0 [sflag:s8], $0x0  }
0x24: {  	s3 =	sadd.s32 $0x88, s3;
	s6 =	simm.s32 @!p1 $0x1082;
	[sflag:s4] =	ssyncset.s32 $0xFFFFF086  }
0x25: {  	[simem:s6], [sflag:s4] =	dma.local [hbm:s3], $0xF7A  }
0x26: {  	[smem:$0x3F78] =	sst s1;
	(tag) =	ssettag s2;
	_ =	strace s9  }
0x27: {  	s1 =	sld [smem:$0x3F88]  }
0x28: {  	s2 =	sld [smem:$0x3F89]  }
0x29: {  	s4 =	sld [smem:$0x3F8B]  }
0x2a: {  	p0 =	seq.s32 s5, $0x0;
	s5 =	sld [smem:$0x3F8C]  }
0x2b: {  	s6 =	sld [smem:$0x3F8D]  }
0x2c: {  	s7 =	sld [smem:$0x3F8E]  }
0x2d: {  	s3 =	simm.s32 $0x108;
	s8 =	sld [smem:$0x3F8F]  }
0x2e: {  	s3 =	simm.s32 @!p0 $0x1082;
	s9 =	sld [smem:$0x3F90]  }
0x2f: {  	lr =	sadd.s32 s0, s3;
	s0 =	sld [smem:$0x3F87]  }
0x30: {  	s3 =	sld [smem:$0x3F8A]  }
0x31: {  	[smem:$0x3F93] =	sst s10  }
0x32: {  	s10 =	sld [smem:$0x3F91];
	_ =	sdelay $0x3  }
0x33: {  	p0 =	seq.s32 s10, $0x1;
	s10 =	sld [smem:$0x3F93];
	_ =	sdelay $0x3  }
0x34: {  	[smem:$0x3F93] =	sst s10  }
0x35: {  	s10 =	sld [smem:$0x3F92];
	_ =	sdelay $0x3  }
0x36: {  	p1 =	seq.s32 s10, $0x1;
	s10 =	sld [smem:$0x3F93];
	_ =	sdelay $0x3  }
0x37: {  	[smem:$0x3F93] =	sst s10  }
0x38: {  	s10 =	sld [smem:$0x3F94]  }
0x39: {  	_ = 	snop;
	(pc) =	sbr.ind lr, $3  }
0x3a: {  	_ = 	snop  }
0x3b: {  	_ = 	snop  }
0x3c: {  	p2 =	seq.s32 s10, $0x1;
	s10 =	sld [smem:$0x3F93]  }
0x3d: {  	_ =	shalt  }
0x3e: {  	_ =	shalt  }
0x3f: {  	_ =	shalt  }
0x40: {  	_ =	shalt  }
0x41: {  	_ =	shalt  }
0x42: {  	_ =	shalt  }
0x43: {  	_ =	shalt  }
0x44: {  	_ =	shalt  }
0x45: {  	_ =	shalt  }
0x46: {  	_ =	shalt  }
0x47: {  	_ =	shalt  }
0x48: {  	_ =	shalt  }
0x49: {  	_ =	shalt  }
0x4a: {  	_ =	shalt  }
0x4b: {  	_ =	shalt  }
0x4c: {  	_ =	shalt  }
0x4d: {  	_ =	shalt  }
0x4e: {  	_ =	shalt  }
0x4f: {  	_ =	shalt  }
0x50: {  	_ =	shalt  }
0x51: {  	_ =	shalt  }
0x52: {  	_ =	shalt  }
0x53: {  	_ =	shalt  }
0x54: {  	_ =	shalt  }
0x55: {  	_ =	shalt  }
0x56: {  	_ =	shalt  }
0x57: {  	_ =	shalt  }
0x58: {  	_ =	shalt  }
0x59: {  	_ =	shalt  }
0x5a: {  	_ =	shalt  }
0x5b: {  	_ =	shalt  }
0x5c: {  	_ =	shalt  }
0x5d: {  	_ =	shalt  }
0x5e: {  	_ =	shalt  }
0x5f: {  	_ =	shalt  }
0x60: {  	_ =	shalt  }
0x61: {  	_ =	shalt  }
0x62: {  	_ =	shalt  }
0x63: {  	_ =	shalt  }
0x64: {  	_ =	shalt  }
0x65: {  	_ =	shalt  }
0x66: {  	_ =	shalt  }
0x67: {  	_ =	shalt  }
0x68: {  	_ =	shalt  }
0x69: {  	_ =	shalt  }
0x6a: {  	_ =	shalt  }
0x6b: {  	_ =	shalt  }
0x6c: {  	_ =	shalt  }
0x6d: {  	_ =	shalt  }
0x6e: {  	_ =	shalt  }
0x6f: {  	_ =	shalt  }
0x70: {  	_ =	shalt  }
0x71: {  	_ =	shalt  }
0x72: {  	_ =	shalt  }
0x73: {  	_ =	shalt  }
0x74: {  	_ =	shalt  }
0x75: {  	_ =	shalt  }
0x76: {  	_ =	shalt  }
0x77: {  	_ =	shalt  }
0x78: {  	_ =	shalt  }
0x79: {  	_ =	shalt  }
0x7a: {  	_ =	shalt  }
0x7b: {  	_ =	shalt  }
0x7c: {  	_ =	shalt  }
0x7d: {  	_ =	shalt  }
0x7e: {  	_ =	shalt  }
0x7f: {  	_ =	shalt  }
0x80: {  	_ =	shalt  }
0x81: {  	_ =	shalt  }
0x82: {  	_ =	shalt  }
0x83: {  	_ =	shalt  }
0x84: {  	_ =	shalt  }
0x85: {  	_ =	shalt  }
0x86: {  	_ =	shalt  }
0x87: {  	_ =	shalt  }
.Lfunc_end0:
.L_simem_size_0:
called_computation.2_lowered:
.L_overlay_start_0:
0x88: {  	s2 =	sld [smem:$0x3FD9]  }
0x89: {  	s3 =	sld [smem:$0x3FFE];
	_ =	sdelay $0x1  }
0x8a: {  	s1 =	srdreg.scid  }
0x8b: {  	s0 =	sand.u32 $0x1, s1  }
0x8c: {  	s16 =	sshll.u32 s0, $0xA;
	s2 =	sadd.s32 s3, s2  }
0x8d: {  	s2 =	sadd.s32 s2, s16  }
0x8e: {  	[smem:$0x3F9F] =	sst s2  }
0x8f: {  	_ = 	snop  }
0x90: {  	(tm) =	ssettm $0x1  }
0x91: {  	s17 =	sld [smem:$0x3FFB];
	_ =	sdelay $0x3  }
0x92: {  	_ =	strace s17  }
0x93: {  	s2 =	sld [smem:$0x3FFC];
	_ =	sdelay $0x3  }
0x94: {  	_ =	strace s2  }
0x95: {  	s2 =	sld [smem:$0x3FFD];
	_ =	sdelay $0x3  }
0x96: {  	_ =	strace s2  }
0x97: {  	_ =	strace $0x8FFFFFFF  }
0x98: {  	s18 =	sld [smem:$0x3FDB];
	_ =	sdelay $0x1  }
0x99: {  	s19 =	simm.s32 $_scs_section_size  }
0x9a: {  	s4 =	simm.s32 $_size__tile_overlayer_lowered;
	s5 =	simm.s32 $_tile_overlayer_lowered  }
0x9b: {  	s22 =	simm.s32 $0x1BFF;
	s21 =	sshll.u32 s5, $0x1;
	s2 =	sadd.s32 s19, s18  }
0x9c: {  	s6 =	simm.s32 $0x0;
	s20 =	sshll.u32 s4, $0x1;
	s4 =	sadd.s32 s21, s2  }
0x9d: {  	[timem:s6], [sflag:s22] =	dma.local [hbm:s4], s20  }
0x9e: {  	_ =	swait.ge [sflag:s22], s20  }
0x9f: {  	s3 =	ssub.s32 $0x0, s20;
	[sflag:s22] =	ssyncset.done $0x0  }
0xa0: {  	[sflag:s22] =	ssyncadd.s32 s3;
	_ =	sdelay $0x1  }
0xa1: {  	s23 =	simm.s32 $0x1B8B  }
0xa2: {  	_ =	swait.ge [sflag:s23], $0x1  }
0xa3: {  	[sflag:s23] =	ssyncset.done $0x0  }
0xa4: {  	s25 =	simm.s32 $0x1B8E;
	s24 =	sld [smem:$0x3FFE];
	[sflag:s23] =	ssyncadd.s32 $0xFFFFFFFF  }
0xa5: {  	s26 =	simm.s32 $execute0_lowered;
	[smem:$0x3FD2] =	sst s25  }
0xa6: {  	s4 =	sshll.u32 s26, $0x1;
	_ =	strace $0x8000004C;
	[dreg:$0x1] =	wrdreg $0xFFFFFFFF  }
0xa7: {  	s28 =	simm.s32 $_size_execute0_lowered;
	s2 =	sadd.s32 s2, s4;
	[dreg:$0x0] =	wrdreg $0x0  }
0xa8: {  	s4 =	sshll.u32 s28, $0x1;
	[dreg:$0x2] =	wrdreg s2  }
0xa9: {  	[dreg:$0x3] =	wrdreg s4  }
0xaa: {  	[dreg:$0x4] =	wrdreg $0xC0  }
0xab: {  	_ =	task [dreg:s6], $0x5FFFF  }
0xac: {  	[dreg:$0x1] =	wrdreg $0xFFFFFFFF  }
0xad: {  	[dreg:$0x0] =	wrdreg $0x60  }
0xae: {  	[dreg:$0x2] =	wrdreg s24  }
0xaf: {  	[dreg:$0x3] =	wrdreg $0x9  }
0xb0: {  	_ =	task.clear_ibuf [dreg:s6], $0x4FFFF;
	_ =	strace $0x9000004C  }
0xb1: {  	s29 =	simm.s32 $0x9;
	_ =	strace $0x8000004E  }
0xb2: {  	_ =	swait.ge [sflag:s29], $0x1  }
0xb3: {  	[sflag:s29] =	ssyncadd.s32 $0xFFFFFFFF  }
0xb4: {  	_ =	strace $0x9000004E  }
0xb5: {  	_ =	sfence  }
0xb6: {  	s30 =	sld [smem:$0x0];
	_ =	sdelay $0x2  }
0xb7: {  	s31 =	sshll.u32 s1, $0xD;
	s1 =	sshrl.u32 s1, $0x2  }
0xb8: {  	s3 =	sand.u32 $0x4000, s31;
	s1 =	sadd.s32 s1, s30  }
0xb9: {  	s0 =	sor.u32 s3, s0;
	s1 =	sshll.u32 s1, $0x11  }
0xba: {  	s0 =	sor.u32 s1, s0  }
0xbb: {  	s0 =	sadd.s32 $0x8F2B, s0  }
0xbc: {  	[sflag:s0] =	ssyncadd.remote.s32 $0x1  }
0xbd: {  	_ =	sfence.sel $0xFFFF  }
0xbe: {  	[dreg:$0x0] =	wrdreg $0xFFFFFFFF;
	(pc) =	sbr.abs _section_cstart, $3  }
0xbf: {  	[dreg:$0x1] =	wrdreg $0xFFFFFFFF  }
0xc0: {  	_ =	task.clear_ibuf [dreg:s6], $0x2FFFF;
	_ =	strace $0x9FFFFFFF  }
0xc1: {  	(tm) =	ssettm $0x7FFFFFFF  }
tec
execute0_lowered:
.L_overlay_start_1:
0x0: {  	(tag) =	ssettag $0x1  }
0x1: {  	s1 =	srdreg.scid;
	s0 =	stileid.u32  }
0x2: {  	s15 =	sand.u32 $0x1, s1;
	s29 =	sshll.u32 s0, $0x1  }
0x3: {  	s9 =	sor.u32 s15, s29  }
0x4: {  	s2 =	rddreg [dreg:$0x0];
	s14 =	smul.u32 $0x9E0, s9  }
0x5: {  	s3 =	simm.s32 $0x0;
	s1 =	rddreg [dreg:$0x1]  }
0x6: {  	[smem:$0x7FF] =	sst s3;
	s16 =	sadd.s32 $0x27800, s2;
	s4 =	sshrl.u32 s14, $0x3  }
0x7: {  	_ =	strace $0x8000004D;
	s5 =	sadd.s32 s16, s4;
	s4 =	simm.s32 $0x2  }
0x8: {  	[tilespmem:s3], [sflag:$0x2] =	stream.linear.gather [hbm4b:s5+s3], $0x278, $0x38;
	[tilespmem:$0x13E80] =	vst v63  }
0x9: {  	_ =	swait.ge [sflag:s4], $0x278  }
0xa: {  	s6 =	simm.s32 $0x278;
	[sflag:s4] =	ssyncset.done $0x0  }
0xb: {  	s7 =	simm.s32 $0x280;
	s8 =	simm.s32 $0x1;
	[sflag:s4] =	ssyncadd.s32 $0xFFFFFD88  }
0xc: {  	[tilespmem:s7], [sflag:$0x1] =	stream.indirect.gather [hbm4b:s2+s6], $0x80, s3, s6, $0xb8;
	[tilespmem:$0x13E80] =	vst v63  }
0xd: {  	s9 =	smul.u32 $0x9E00, s9;
	_ =	swait.ge [sflag:s8], $0x13C00  }
0xe: {  	s17 =	sadd.s32 $0x2A000, s2;
	[sflag:s8] =	ssyncset.done $0x0  }
0xf: {  	s9 =	sadd.s32 s17, s9;
	[sflag:s8] =	ssyncadd.s32 $0xFFFEC400  }
0x10: {  	[hbm4b:s9+s3] =	stream.linear.scatter [tilespmem:s7], [sflag:$0x2], $0x13C00, $0x38;
	[tilespmem:$0x13E80] =	vst v63  }
0x11: {  	s11 =	sadd.s32 $0x278, s14;
	_ =	swait.ge [sflag:s4], $0x13C00  }
0x12: {  	s10 =	sshrl.u32 s11, $0x3;
	[sflag:s4] =	ssyncset.done $0x0  }
0x13: {  	s10 =	sadd.s32 s16, s10;
	[sflag:s4] =	ssyncadd.s32 $0xFFFEC400  }
0x14: {  	[tilespmem:s3], [sflag:$0x2] =	stream.linear.gather [hbm4b:s10+s3], $0x278, $0x38;
	[tilespmem:$0x13E80] =	vst v63  }
0x15: {  	_ =	swait.ge [sflag:s4], $0x278  }
0x16: {  	[sflag:s4] =	ssyncset.done $0x0  }
0x17: {  	[sflag:s4] =	ssyncadd.s32 $0xFFFFFD88  }
0x18: {  	[tilespmem:s7], [sflag:$0x1] =	stream.indirect.gather [hbm4b:s2+s6], $0x80, s3, s6, $0xb8;
	[tilespmem:$0x13E80] =	vst v63  }
0x19: {  	_ =	swait.ge [sflag:s8], $0x13C00  }
0x1a: {  	s11 =	sshll.u32 s11, $0x4;
	[sflag:s8] =	ssyncset.done $0x0  }
0x1b: {  	s11 =	sadd.s32 s17, s11;
	[sflag:s8] =	ssyncadd.s32 $0xFFFEC400  }
0x1c: {  	[hbm4b:s11+s3] =	stream.linear.scatter [tilespmem:s7], [sflag:$0x2], $0x13C00, $0x38;
	[tilespmem:$0x13E80] =	vst v63  }
0x1d: {  	s13 =	sadd.s32 $0x4F0, s14;
	_ =	swait.ge [sflag:s4], $0x13C00  }
0x1e: {  	s12 =	sshrl.u32 s13, $0x3;
	[sflag:s4] =	ssyncset.done $0x0  }
0x1f: {  	s12 =	sadd.s32 s16, s12;
	[sflag:s4] =	ssyncadd.s32 $0xFFFEC400  }
0x20: {  	[tilespmem:s3], [sflag:$0x2] =	stream.linear.gather [hbm4b:s12+s3], $0x278, $0x38;
	[tilespmem:$0x13E80] =	vst v63  }
0x21: {  	_ =	swait.ge [sflag:s4], $0x278  }
0x22: {  	[sflag:s4] =	ssyncset.done $0x0  }
0x23: {  	[sflag:s4] =	ssyncadd.s32 $0xFFFFFD88  }
0x24: {  	[tilespmem:s7], [sflag:$0x1] =	stream.indirect.gather [hbm4b:s2+s6], $0x80, s3, s6, $0xb8;
	[tilespmem:$0x13E80] =	vst v63  }
0x25: {  	_ =	swait.ge [sflag:s8], $0x13C00  }
0x26: {  	s13 =	sshll.u32 s13, $0x4;
	[sflag:s8] =	ssyncset.done $0x0  }
0x27: {  	s13 =	sadd.s32 s17, s13;
	[sflag:s8] =	ssyncadd.s32 $0xFFFEC400  }
0x28: {  	[hbm4b:s13+s3] =	stream.linear.scatter [tilespmem:s7], [sflag:$0x2], $0x13C00, $0x38;
	[tilespmem:$0x13E80] =	vst v63  }
0x29: {  	s18 =	sadd.s32 $0x768, s14;
	_ =	swait.ge [sflag:s4], $0x13C00  }
0x2a: {  	s14 =	sshrl.u32 s18, $0x3;
	[sflag:s4] =	ssyncset.done $0x0  }
0x2b: {  	s15 =	ssub.s32 $0x2, s15;
	s14 =	sadd.s32 s16, s14;
	[sflag:s4] =	ssyncadd.s32 $0xFFFEC400  }
0x2c: {  	[tilespmem:s3], [sflag:$0x2] =	stream.linear.gather [hbm4b:s14+s3], $0x278, $0x38;
	[tilespmem:$0x13E80] =	vst v63  }
0x2d: {  	s30 =	sshrl.u32 s15, $0x1;
	_ =	swait.ge [sflag:s4], $0x278  }
0x2e: {  	s16 =	ssub.s32 s15, s30;
	[sflag:s4] =	ssyncset.done $0x0  }
0x2f: {  	s16 =	smax.u32 s16, $0x1;
	[sflag:s4] =	ssyncadd.s32 $0xFFFFFD88  }
0x30: {  	[tilespmem:s7], [sflag:$0x1] =	stream.indirect.gather [hbm4b:s2+s6], $0x80, s3, s6, $0xb8;
	[tilespmem:$0x13E80] =	vst v63  }
0x31: {  	p0 =	sne.s32 s16, $0x1;
	_ =	swait.ge [sflag:s8], $0x13C00  }
.Ltmp0:
0x32: {  	s31 =	sshll.u32 s18, $0x4;
	[sflag:s8] =	ssyncset.done $0x0;
	(pc) =	sbr.rel @!p0 .LBB2_2-.Ltmp0, $4  }
0x33: {  	s15 =	sadd.s32 s17, s31;
	[sflag:s8] =	ssyncadd.s32 $0xFFFEC400  }
0x34: {  	[hbm4b:s15+s3] =	stream.linear.scatter [tilespmem:s7], [sflag:$0x2], $0x13C00, $0x38;
	[tilespmem:$0x13E80] =	vst v63  }
0x35: {  	_ =	swait.ge [sflag:s4], $0x13C00  }
0x36: {  	s16 =	sadd.s32 $0xFFFFFFFF, s16;
	[sflag:s4] =	ssyncset.done $0x0  }
.LBB2_1:
0x37: {  	p0 =	sne.s32 s16, $0x1;
	s16 =	sadd.s32 $0xFFFFFFFF, s16;
	[sflag:s4] =	ssyncadd.s32 $0xFFFEC400  }
0x38: {  	[tilespmem:s3], [sflag:$0x2] =	stream.linear.gather [hbm4b:s5+s3], $0x278, $0x38;
	[tilespmem:$0x13E80] =	vst v63  }
0x39: {  	_ =	swait.ge [sflag:s4], $0x278  }
0x3a: {  	[sflag:s4] =	ssyncset.done $0x0  }
0x3b: {  	[sflag:s4] =	ssyncadd.s32 $0xFFFFFD88  }
0x3c: {  	[tilespmem:s7], [sflag:$0x1] =	stream.indirect.gather [hbm4b:s2+s6], $0x80, s3, s6, $0xb8;
	[tilespmem:$0x13E80] =	vst v63  }
0x3d: {  	_ =	swait.ge [sflag:s8], $0x13C00  }
0x3e: {  	[sflag:s8] =	ssyncset.done $0x0  }
0x3f: {  	[sflag:s8] =	ssyncadd.s32 $0xFFFEC400  }
0x40: {  	[hbm4b:s9+s3] =	stream.linear.scatter [tilespmem:s7], [sflag:$0x2], $0x13C00, $0x38;
	[tilespmem:$0x13E80] =	vst v63  }
0x41: {  	_ =	swait.ge [sflag:s4], $0x13C00  }
0x42: {  	[sflag:s4] =	ssyncset.done $0x0  }
0x43: {  	[sflag:s4] =	ssyncadd.s32 $0xFFFEC400  }
0x44: {  	[tilespmem:s3], [sflag:$0x2] =	stream.linear.gather [hbm4b:s10+s3], $0x278, $0x38;
	[tilespmem:$0x13E80] =	vst v63  }
0x45: {  	_ =	swait.ge [sflag:s4], $0x278  }
0x46: {  	[sflag:s4] =	ssyncset.done $0x0  }
0x47: {  	[sflag:s4] =	ssyncadd.s32 $0xFFFFFD88  }
0x48: {  	[tilespmem:s7], [sflag:$0x1] =	stream.indirect.gather [hbm4b:s2+s6], $0x80, s3, s6, $0xb8;
	[tilespmem:$0x13E80] =	vst v63  }
0x49: {  	_ =	swait.ge [sflag:s8], $0x13C00  }
0x4a: {  	[sflag:s8] =	ssyncset.done $0x0  }
0x4b: {  	[sflag:s8] =	ssyncadd.s32 $0xFFFEC400  }
0x4c: {  	[hbm4b:s11+s3] =	stream.linear.scatter [tilespmem:s7], [sflag:$0x2], $0x13C00, $0x38;
	[tilespmem:$0x13E80] =	vst v63  }
0x4d: {  	_ =	swait.ge [sflag:s4], $0x13C00  }
0x4e: {  	[sflag:s4] =	ssyncset.done $0x0  }
0x4f: {  	[sflag:s4] =	ssyncadd.s32 $0xFFFEC400  }
0x50: {  	[tilespmem:s3], [sflag:$0x2] =	stream.linear.gather [hbm4b:s12+s3], $0x278, $0x38;
	[tilespmem:$0x13E80] =	vst v63  }
0x51: {  	_ =	swait.ge [sflag:s4], $0x278  }
0x52: {  	[sflag:s4] =	ssyncset.done $0x0  }
0x53: {  	[sflag:s4] =	ssyncadd.s32 $0xFFFFFD88  }
0x54: {  	[tilespmem:s7], [sflag:$0x1] =	stream.indirect.gather [hbm4b:s2+s6], $0x80, s3, s6, $0xb8;
	[tilespmem:$0x13E80] =	vst v63  }
0x55: {  	_ =	swait.ge [sflag:s8], $0x13C00  }
0x56: {  	[sflag:s8] =	ssyncset.done $0x0  }
0x57: {  	[sflag:s8] =	ssyncadd.s32 $0xFFFEC400  }
0x58: {  	[hbm4b:s13+s3] =	stream.linear.scatter [tilespmem:s7], [sflag:$0x2], $0x13C00, $0x38;
	[tilespmem:$0x13E80] =	vst v63  }
0x59: {  	_ =	swait.ge [sflag:s4], $0x13C00  }
0x5a: {  	[sflag:s4] =	ssyncset.done $0x0  }
0x5b: {  	[sflag:s4] =	ssyncadd.s32 $0xFFFEC400  }
0x5c: {  	[tilespmem:s3], [sflag:$0x2] =	stream.linear.gather [hbm4b:s14+s3], $0x278, $0x38;
	[tilespmem:$0x13E80] =	vst v63  }
0x5d: {  	_ =	swait.ge [sflag:s4], $0x278  }
0x5e: {  	[sflag:s4] =	ssyncset.done $0x0  }
0x5f: {  	[sflag:s4] =	ssyncadd.s32 $0xFFFFFD88  }
0x60: {  	[tilespmem:s7], [sflag:$0x1] =	stream.indirect.gather [hbm4b:s2+s6], $0x80, s3, s6, $0xb8;
	[tilespmem:$0x13E80] =	vst v63  }
0x61: {  	_ =	swait.ge [sflag:s8], $0x13C00  }
.Ltmp1:
0x62: {  	[sflag:s8] =	ssyncset.done $0x0;
	(pc) =	sbr.rel @p0 .LBB2_1-.Ltmp1, $4  }
0x63: {  	[sflag:s8] =	ssyncadd.s32 $0xFFFEC400  }
0x64: {  	[hbm4b:s15+s3] =	stream.linear.scatter [tilespmem:s7], [sflag:$0x2], $0x13C00, $0x38;
	[tilespmem:$0x13E80] =	vst v63  }
0x65: {  	_ =	swait.ge [sflag:s4], $0x13C00  }
0x66: {  	[sflag:s4] =	ssyncset.done $0x0  }
.LBB2_2:
0x67: {  	[sflag:s4] =	ssyncadd.s32 $0xFFFEC400  }
0x68: {  	_ =	sfence.sel $0x180000  }
0x69: {  	[bflag:$0x0] =	sbarrier.arrive $0xFFFF  }
0x6a: {  	p0 =	sne.s32 s0, $0x0;
	_ =	strace $0x9000004D  }
0x6b: {  	s0 =	sadd.s32 @!p0 $0x100000, s1;
	[bflag:$0x2] =	sbarrier.arrive $0xFFFF  }
0x6c: {  	[sflag:s0] =	ssyncadd.tile.s32 @!p0 $0x1;
	_ =	shalt  }
.Lfunc_end2:
_tile_overlayer_lowered:
.L_overlay_start_2:
0x6d: {  	(tag) =	ssettag $0x2  }
0x6e: {  	s0 =	rddreg [dreg:$0x0];
	s2 =	stileid.u32  }
0x6f: {  	s1 =	rddreg [dreg:$0x1];
	p0 =	sne.s32 s2, $0x0  }
0x70: {  	s3 =	rddreg [dreg:$0x2];
	[bflag:$0x3] =	sbarrier.arrive $0xFFFF;
	s2 =	simm.s32 @!p0 $0x1C02  }
0x71: {  	[timem:s3], [sflag:s2] =	dma.local @!p0 [hbm:s0], s1  }
0x72: {  	s0 =	simm.s32 @!p0 $0x2  }
0x73: {  	_ =	swait.ge @!p0 [sflag:s0], s1  }
0x74: {  	s1 =	ssub.s32 @!p0 $0x0, s1;
	[sflag:s0] =	ssyncset.done @!p0 $0x0  }
0x75: {  	[sflag:s0] =	ssyncadd.s32 @!p0 s1  }
0x76: {  	[bflag:$0x3] =	sbarrier.arrive $0xFFFF  }
0x77: {  	_ =	shalt  }

// kernel: kernel.8.cloned.1.call-start
scs
__scs_entry_jumppad:
0x0: {  	(pc) =	sbr.rel $0x88, $3  }
0x1: {  	(tag) =	ssettag $0x0;
	lr =	simm.s32 $0x1  }
0x2: {  	[smem:$0x3F78] =	sst lr;
	_ =	strace $0xD0000000  }
0x3: {  	_ = 	snop  }
0x4: {  	_ = 	snop  }
0x5: {  	_ = 	snop  }
0x6: {  	_ = 	snop  }
0x7: {  	_ = 	snop  }
__scs_overlays_trampoline_lowered:
0x8: {  	[smem:$0x3F87] =	sst s0  }
0x9: {  	[smem:$0x3F88] =	sst s1  }
0xa: {  	[smem:$0x3F89] =	sst s2  }
0xb: {  	[smem:$0x3F8A] =	sst s3  }
0xc: {  	[smem:$0x3F8B] =	sst s4  }
0xd: {  	[smem:$0x3F8C] =	sst s5  }
0xe: {  	[smem:$0x3F8D] =	sst s6  }
0xf: {  	[smem:$0x3F8E] =	sst s7  }
0x10: {  	[smem:$0x3F8F] =	sst s8  }
0x11: {  	[smem:$0x3F90] =	sst s9;
	s0 =	simm.s32 @!p0 $0x0  }
0x12: {  	s1 =	sld [smem:$0x3F76];
	s0 =	simm.s32 @p0 $0x1  }
0x13: {  	[smem:$0x3F91] =	sst s0;
	s0 =	simm.s32 @!p1 $0x0  }
0x14: {  	s2 =	sld [smem:$0x3F75];
	s0 =	simm.s32 @p1 $0x1  }
0x15: {  	[smem:$0x3F92] =	sst s0;
	s0 =	simm.s32 @!p2 $0x0  }
0x16: {  	s3 =	sld [smem:$0x3FDB];
	s0 =	simm.s32 @p2 $0x1  }
0x17: {  	s4 =	simm.s32 $0x1BF5;
	[smem:$0x3F94] =	sst s0  }
0x18: {  	s0 =	sld [smem:$0x3F77];
	_ =	swait.ge [sflag:s4], $0x0  }
0x19: {  	s7 =	sld [smem:$0x3F78]  }
0x1a: {  	s8 =	sadd.s32 $0xFFFFE003, lr  }
0x1b: {  	s9 =	sadd.s32 $0xFFFFFEF7, lr;
	s5 =	simm.s32 $0xFFFFFFFF;
	p2 =	slt.u32 s8, $0xFFFFF086  }
0x1c: {  	p1 =	slt.u32 s9, $0xF7A;
	s5 =	simm.s32 @!p2 $0x0  }
0x1d: {  	s5 =	simm.s32 @p1 $0x1;
	p0 =	seq.s32 s7, s2  }
0x1e: {  	s7 =	smul.u32 @!p0 $0xF7A, s2;
	p2 =	seq.s32 @!p0 s5, $0x0  }
0x1f: {  	s9 =	smul.u32 $0xF7A, s1;
	s8 =	simm.s32 @!p0 $0x1BF5;
	p2 =	por !p2, p0  }
0x20: {  	[sflag:s8] =	ssyncset.s32 @!p0 $0xFFFFF086;
	s6 =	sadd.s32 @!p0 s3, s7;
	s7 =	simm.s32 @!p0 $0x108  }
0x21: {  	s3 =	sadd.s32 s3, s9;
	s6 =	sadd.s32 @!p0 $0x88, s6;
	s7 =	simm.s32 @p2 $0x1082  }
0x22: {  	[simem:s7], [sflag:s8] =	dma.local @!p0 [hbm:s6], $0xF7A  }
0x23: {  	s9 =	sor.u32 $0xD0000000, s2;
	s6 =	simm.s32 $0x108;
	_ =	swait.ge @!p0 [sflag:s8], $0x0  }
0x24: {  	s3 =	sadd.s32 $0x88, s3;
	s6 =	simm.s32 @!p1 $0x1082;
	[sflag:s4] =	ssyncset.s32 $0xFFFFF086  }
0x25: {  	[simem:s6], [sflag:s4] =	dma.local [hbm:s3], $0xF7A  }
0x26: {  	[smem:$0x3F78] =	sst s1;
	(tag) =	ssettag s2;
	_ =	strace s9  }
0x27: {  	s1 =	sld [smem:$0x3F88]  }
0x28: {  	s2 =	sld [smem:$0x3F89]  }
0x29: {  	s4 =	sld [smem:$0x3F8B]  }
0x2a: {  	p0 =	seq.s32 s5, $0x0;
	s5 =	sld [smem:$0x3F8C]  }
0x2b: {  	s6 =	sld [smem:$0x3F8D]  }
0x2c: {  	s7 =	sld [smem:$0x3F8E]  }
0x2d: {  	s3 =	simm.s32 $0x108;
	s8 =	sld [smem:$0x3F8F]  }
0x2e: {  	s3 =	simm.s32 @!p0 $0x1082;
	s9 =	sld [smem:$0x3F90]  }
0x2f: {  	lr =	sadd.s32 s0, s3;
	s0 =	sld [smem:$0x3F87]  }
0x30: {  	s3 =	sld [smem:$0x3F8A]  }
0x31: {  	[smem:$0x3F93] =	sst s10  }
0x32: {  	s10 =	sld [smem:$0x3F91];
	_ =	sdelay $0x3  }
0x33: {  	p0 =	seq.s32 s10, $0x1;
	s10 =	sld [smem:$0x3F93];
	_ =	sdelay $0x3  }
0x34: {  	[smem:$0x3F93] =	sst s10  }
0x35: {  	s10 =	sld [smem:$0x3F92];
	_ =	sdelay $0x3  }
0x36: {  	p1 =	seq.s32 s10, $0x1;
	s10 =	sld [smem:$0x3F93];
	_ =	sdelay $0x3  }
0x37: {  	[smem:$0x3F93] =	sst s10  }
0x38: {  	s10 =	sld [smem:$0x3F94]  }
0x39: {  	_ = 	snop;
	(pc) =	sbr.ind lr, $3  }
0x3a: {  	_ = 	snop  }
0x3b: {  	_ = 	snop  }
0x3c: {  	p2 =	seq.s32 s10, $0x1;
	s10 =	sld [smem:$0x3F93]  }
0x3d: {  	_ =	shalt  }
0x3e: {  	_ =	shalt  }
0x3f: {  	_ =	shalt  }
0x40: {  	_ =	shalt  }
0x41: {  	_ =	shalt  }
0x42: {  	_ =	shalt  }
0x43: {  	_ =	shalt  }
0x44: {  	_ =	shalt  }
0x45: {  	_ =	shalt  }
0x46: {  	_ =	shalt  }
0x47: {  	_ =	shalt  }
0x48: {  	_ =	shalt  }
0x49: {  	_ =	shalt  }
0x4a: {  	_ =	shalt  }
0x4b: {  	_ =	shalt  }
0x4c: {  	_ =	shalt  }
0x4d: {  	_ =	shalt  }
0x4e: {  	_ =	shalt  }
0x4f: {  	_ =	shalt  }
0x50: {  	_ =	shalt  }
0x51: {  	_ =	shalt  }
0x52: {  	_ =	shalt  }
0x53: {  	_ =	shalt  }
0x54: {  	_ =	shalt  }
0x55: {  	_ =	shalt  }
0x56: {  	_ =	shalt  }
0x57: {  	_ =	shalt  }
0x58: {  	_ =	shalt  }
0x59: {  	_ =	shalt  }
0x5a: {  	_ =	shalt  }
0x5b: {  	_ =	shalt  }
0x5c: {  	_ =	shalt  }
0x5d: {  	_ =	shalt  }
0x5e: {  	_ =	shalt  }
0x5f: {  	_ =	shalt  }
0x60: {  	_ =	shalt  }
0x61: {  	_ =	shalt  }
0x62: {  	_ =	shalt  }
0x63: {  	_ =	shalt  }
0x64: {  	_ =	shalt  }
0x65: {  	_ =	shalt  }
0x66: {  	_ =	shalt  }
0x67: {  	_ =	shalt  }
0x68: {  	_ =	shalt  }
0x69: {  	_ =	shalt  }
0x6a: {  	_ =	shalt  }
0x6b: {  	_ =	shalt  }
0x6c: {  	_ =	shalt  }
0x6d: {  	_ =	shalt  }
0x6e: {  	_ =	shalt  }
0x6f: {  	_ =	shalt  }
0x70: {  	_ =	shalt  }
0x71: {  	_ =	shalt  }
0x72: {  	_ =	shalt  }
0x73: {  	_ =	shalt  }
0x74: {  	_ =	shalt  }
0x75: {  	_ =	shalt  }
0x76: {  	_ =	shalt  }
0x77: {  	_ =	shalt  }
0x78: {  	_ =	shalt  }
0x79: {  	_ =	shalt  }
0x7a: {  	_ =	shalt  }
0x7b: {  	_ =	shalt  }
0x7c: {  	_ =	shalt  }
0x7d: {  	_ =	shalt  }
0x7e: {  	_ =	shalt  }
0x7f: {  	_ =	shalt  }
0x80: {  	_ =	shalt  }
0x81: {  	_ =	shalt  }
0x82: {  	_ =	shalt  }
0x83: {  	_ =	shalt  }
0x84: {  	_ =	shalt  }
0x85: {  	_ =	shalt  }
0x86: {  	_ =	shalt  }
0x87: {  	_ =	shalt  }
.Lfunc_end0:
.L_simem_size_0:
called_computation_lowered:
.L_overlay_start_0:
0x88: {  	s2 =	sld [smem:$0x3FD9]  }
0x89: {  	s3 =	sld [smem:$0x3FFE];
	_ =	sdelay $0x1  }
0x8a: {  	s1 =	srdreg.scid  }
0x8b: {  	s0 =	sand.u32 $0x1, s1  }
0x8c: {  	s16 =	sshll.u32 s0, $0xA;
	s2 =	sadd.s32 s3, s2  }
0x8d: {  	s2 =	sadd.s32 s2, s16  }
0x8e: {  	[smem:$0x3F9F] =	sst s2  }
0x8f: {  	_ = 	snop  }
0x90: {  	(tm) =	ssettm $0x1  }
0x91: {  	s17 =	sld [smem:$0x3FFB];
	_ =	sdelay $0x3  }
0x92: {  	_ =	strace s17  }
0x93: {  	s2 =	sld [smem:$0x3FFC];
	_ =	sdelay $0x3  }
0x94: {  	_ =	strace s2  }
0x95: {  	s2 =	sld [smem:$0x3FFD];
	_ =	sdelay $0x3  }
0x96: {  	_ =	strace s2  }
0x97: {  	_ =	strace $0x8FFFFFFF  }
0x98: {  	s18 =	sld [smem:$0x3FDB];
	_ =	sdelay $0x1  }
0x99: {  	s19 =	simm.s32 $_scs_section_size  }
0x9a: {  	s4 =	simm.s32 $_size__tile_overlayer_lowered;
	s5 =	simm.s32 $_tile_overlayer_lowered  }
0x9b: {  	s22 =	simm.s32 $0x1BFF;
	s21 =	sshll.u32 s5, $0x1;
	s2 =	sadd.s32 s19, s18  }
0x9c: {  	s6 =	simm.s32 $0x0;
	s20 =	sshll.u32 s4, $0x1;
	s4 =	sadd.s32 s21, s2  }
0x9d: {  	[timem:s6], [sflag:s22] =	dma.local [hbm:s4], s20  }
0x9e: {  	_ =	swait.ge [sflag:s22], s20  }
0x9f: {  	s3 =	ssub.s32 $0x0, s20;
	[sflag:s22] =	ssyncset.done $0x0  }
0xa0: {  	[sflag:s22] =	ssyncadd.s32 s3;
	_ =	sdelay $0x1  }
0xa1: {  	s23 =	simm.s32 $0x1B8B  }
0xa2: {  	_ =	swait.ge [sflag:s23], $0x1  }
0xa3: {  	[sflag:s23] =	ssyncset.done $0x0  }
0xa4: {  	s25 =	simm.s32 $0x1B8E;
	s24 =	sld [smem:$0x3FFE];
	[sflag:s23] =	ssyncadd.s32 $0xFFFFFFFF  }
0xa5: {  	s26 =	simm.s32 $execute0_lowered;
	[smem:$0x3FD2] =	sst s25  }
0xa6: {  	s4 =	sshll.u32 s26, $0x1;
	_ =	strace $0x80000046;
	[dreg:$0x1] =	wrdreg $0xFFFFFFFF  }
0xa7: {  	s28 =	simm.s32 $_size_execute0_lowered;
	s2 =	sadd.s32 s2, s4;
	[dreg:$0x0] =	wrdreg $0x0  }
0xa8: {  	s4 =	sshll.u32 s28, $0x1;
	[dreg:$0x2] =	wrdreg s2  }
0xa9: {  	[dreg:$0x3] =	wrdreg s4  }
0xaa: {  	[dreg:$0x4] =	wrdreg $0xC0  }
0xab: {  	_ =	task [dreg:s6], $0x5FFFF  }
0xac: {  	[dreg:$0x1] =	wrdreg $0xFFFFFFFF  }
0xad: {  	[dreg:$0x0] =	wrdreg $0x60  }
0xae: {  	[dreg:$0x2] =	wrdreg s24  }
0xaf: {  	[dreg:$0x3] =	wrdreg $0x9  }
0xb0: {  	_ =	task.clear_ibuf [dreg:s6], $0x4FFFF;
	_ =	strace $0x90000046  }
0xb1: {  	s29 =	simm.s32 $0x9;
	_ =	strace $0x80000048  }
0xb2: {  	_ =	swait.ge [sflag:s29], $0x1  }
0xb3: {  	[sflag:s29] =	ssyncadd.s32 $0xFFFFFFFF  }
0xb4: {  	_ =	strace $0x90000048  }
0xb5: {  	_ =	sfence  }
0xb6: {  	s30 =	sld [smem:$0x0];
	_ =	sdelay $0x2  }
0xb7: {  	s31 =	sshll.u32 s1, $0xD;
	s1 =	sshrl.u32 s1, $0x2  }
0xb8: {  	s3 =	sand.u32 $0x4000, s31;
	s1 =	sadd.s32 s1, s30  }
0xb9: {  	s0 =	sor.u32 s3, s0;
	s1 =	sshll.u32 s1, $0x11  }
0xba: {  	s0 =	sor.u32 s1, s0  }
0xbb: {  	s0 =	sadd.s32 $0x8F2B, s0  }
0xbc: {  	[sflag:s0] =	ssyncadd.remote.s32 $0x1  }
0xbd: {  	_ =	sfence.sel $0xFFFF  }
0xbe: {  	[dreg:$0x0] =	wrdreg $0xFFFFFFFF;
	(pc) =	sbr.abs _section_cstart, $3  }
0xbf: {  	[dreg:$0x1] =	wrdreg $0xFFFFFFFF  }
0xc0: {  	_ =	task.clear_ibuf [dreg:s6], $0x2FFFF;
	_ =	strace $0x9FFFFFFF  }
0xc1: {  	(tm) =	ssettm $0x7FFFFFFF  }
tec
execute0_lowered:
.L_overlay_start_1:
0x0: {  	(tag) =	ssettag $0x1  }
0x1: {  	s1 =	srdreg.scid;
	s0 =	stileid.u32  }
0x2: {  	s15 =	sand.u32 $0x1, s1;
	s29 =	sshll.u32 s0, $0x1  }
0x3: {  	s9 =	sor.u32 s15, s29  }
0x4: {  	s2 =	rddreg [dreg:$0x0];
	s14 =	smul.u32 $0x9E0, s9  }
0x5: {  	s3 =	simm.s32 $0x0;
	s1 =	rddreg [dreg:$0x1]  }
0x6: {  	[smem:$0x7FF] =	sst s3;
	s16 =	sadd.s32 $0x52000, s2;
	s4 =	sshrl.u32 s14, $0x3  }
0x7: {  	_ =	strace $0x80000047;
	s5 =	sadd.s32 s16, s4;
	s4 =	simm.s32 $0x2  }
0x8: {  	[tilespmem:s3], [sflag:$0x2] =	stream.linear.gather [hbm4b:s5+s3], $0x278, $0x38;
	[tilespmem:$0x13E80] =	vst v63  }
0x9: {  	_ =	swait.ge [sflag:s4], $0x278  }
0xa: {  	s6 =	simm.s32 $0x278;
	[sflag:s4] =	ssyncset.done $0x0  }
0xb: {  	s7 =	simm.s32 $0x280;
	s8 =	simm.s32 $0x1;
	[sflag:s4] =	ssyncadd.s32 $0xFFFFFD88  }
0xc: {  	[tilespmem:s7], [sflag:$0x1] =	stream.indirect.gather [hbm4b:s2+s6], $0x80, s3, s6, $0xb8;
	[tilespmem:$0x13E80] =	vst v63  }
0xd: {  	s9 =	smul.u32 $0x9E00, s9;
	_ =	swait.ge [sflag:s8], $0x13C00  }
0xe: {  	s17 =	sadd.s32 $0x54800, s2;
	[sflag:s8] =	ssyncset.done $0x0  }
0xf: {  	s9 =	sadd.s32 s17, s9;
	[sflag:s8] =	ssyncadd.s32 $0xFFFEC400  }
0x10: {  	[hbm4b:s9+s3] =	stream.linear.scatter [tilespmem:s7], [sflag:$0x2], $0x13C00, $0x38;
	[tilespmem:$0x13E80] =	vst v63  }
0x11: {  	s11 =	sadd.s32 $0x278, s14;
	_ =	swait.ge [sflag:s4], $0x13C00  }
0x12: {  	s10 =	sshrl.u32 s11, $0x3;
	[sflag:s4] =	ssyncset.done $0x0  }
0x13: {  	s10 =	sadd.s32 s16, s10;
	[sflag:s4] =	ssyncadd.s32 $0xFFFEC400  }
0x14: {  	[tilespmem:s3], [sflag:$0x2] =	stream.linear.gather [hbm4b:s10+s3], $0x278, $0x38;
	[tilespmem:$0x13E80] =	vst v63  }
0x15: {  	_ =	swait.ge [sflag:s4], $0x278  }
0x16: {  	[sflag:s4] =	ssyncset.done $0x0  }
0x17: {  	[sflag:s4] =	ssyncadd.s32 $0xFFFFFD88  }
0x18: {  	[tilespmem:s7], [sflag:$0x1] =	stream.indirect.gather [hbm4b:s2+s6], $0x80, s3, s6, $0xb8;
	[tilespmem:$0x13E80] =	vst v63  }
0x19: {  	_ =	swait.ge [sflag:s8], $0x13C00  }
0x1a: {  	s11 =	sshll.u32 s11, $0x4;
	[sflag:s8] =	ssyncset.done $0x0  }
0x1b: {  	s11 =	sadd.s32 s17, s11;
	[sflag:s8] =	ssyncadd.s32 $0xFFFEC400  }
0x1c: {  	[hbm4b:s11+s3] =	stream.linear.scatter [tilespmem:s7], [sflag:$0x2], $0x13C00, $0x38;
	[tilespmem:$0x13E80] =	vst v63  }
0x1d: {  	s13 =	sadd.s32 $0x4F0, s14;
	_ =	swait.ge [sflag:s4], $0x13C00  }
0x1e: {  	s12 =	sshrl.u32 s13, $0x3;
	[sflag:s4] =	ssyncset.done $0x0  }
0x1f: {  	s12 =	sadd.s32 s16, s12;
	[sflag:s4] =	ssyncadd.s32 $0xFFFEC400  }
0x20: {  	[tilespmem:s3], [sflag:$0x2] =	stream.linear.gather [hbm4b:s12+s3], $0x278, $0x38;
	[tilespmem:$0x13E80] =	vst v63  }
0x21: {  	_ =	swait.ge [sflag:s4], $0x278  }
0x22: {  	[sflag:s4] =	ssyncset.done $0x0  }
0x23: {  	[sflag:s4] =	ssyncadd.s32 $0xFFFFFD88  }
0x24: {  	[tilespmem:s7], [sflag:$0x1] =	stream.indirect.gather [hbm4b:s2+s6], $0x80, s3, s6, $0xb8;
	[tilespmem:$0x13E80] =	vst v63  }
0x25: {  	_ =	swait.ge [sflag:s8], $0x13C00  }
0x26: {  	s13 =	sshll.u32 s13, $0x4;
	[sflag:s8] =	ssyncset.done $0x0  }
0x27: {  	s13 =	sadd.s32 s17, s13;
	[sflag:s8] =	ssyncadd.s32 $0xFFFEC400  }
0x28: {  	[hbm4b:s13+s3] =	stream.linear.scatter [tilespmem:s7], [sflag:$0x2], $0x13C00, $0x38;
	[tilespmem:$0x13E80] =	vst v63  }
0x29: {  	s18 =	sadd.s32 $0x768, s14;
	_ =	swait.ge [sflag:s4], $0x13C00  }
0x2a: {  	s14 =	sshrl.u32 s18, $0x3;
	[sflag:s4] =	ssyncset.done $0x0  }
0x2b: {  	s15 =	ssub.s32 $0x2, s15;
	s14 =	sadd.s32 s16, s14;
	[sflag:s4] =	ssyncadd.s32 $0xFFFEC400  }
0x2c: {  	[tilespmem:s3], [sflag:$0x2] =	stream.linear.gather [hbm4b:s14+s3], $0x278, $0x38;
	[tilespmem:$0x13E80] =	vst v63  }
0x2d: {  	s30 =	sshrl.u32 s15, $0x1;
	_ =	swait.ge [sflag:s4], $0x278  }
0x2e: {  	s16 =	ssub.s32 s15, s30;
	[sflag:s4] =	ssyncset.done $0x0  }
0x2f: {  	s16 =	smax.u32 s16, $0x1;
	[sflag:s4] =	ssyncadd.s32 $0xFFFFFD88  }
0x30: {  	[tilespmem:s7], [sflag:$0x1] =	stream.indirect.gather [hbm4b:s2+s6], $0x80, s3, s6, $0xb8;
	[tilespmem:$0x13E80] =	vst v63  }
0x31: {  	p0 =	sne.s32 s16, $0x1;
	_ =	swait.ge [sflag:s8], $0x13C00  }
.Ltmp0:
0x32: {  	s31 =	sshll.u32 s18, $0x4;
	[sflag:s8] =	ssyncset.done $0x0;
	(pc) =	sbr.rel @!p0 .LBB2_2-.Ltmp0, $4  }
0x33: {  	s15 =	sadd.s32 s17, s31;
	[sflag:s8] =	ssyncadd.s32 $0xFFFEC400  }
0x34: {  	[hbm4b:s15+s3] =	stream.linear.scatter [tilespmem:s7], [sflag:$0x2], $0x13C00, $0x38;
	[tilespmem:$0x13E80] =	vst v63  }
0x35: {  	_ =	swait.ge [sflag:s4], $0x13C00  }
0x36: {  	s16 =	sadd.s32 $0xFFFFFFFF, s16;
	[sflag:s4] =	ssyncset.done $0x0  }
.LBB2_1:
0x37: {  	p0 =	sne.s32 s16, $0x1;
	s16 =	sadd.s32 $0xFFFFFFFF, s16;
	[sflag:s4] =	ssyncadd.s32 $0xFFFEC400  }
0x38: {  	[tilespmem:s3], [sflag:$0x2] =	stream.linear.gather [hbm4b:s5+s3], $0x278, $0x38;
	[tilespmem:$0x13E80] =	vst v63  }
0x39: {  	_ =	swait.ge [sflag:s4], $0x278  }
0x3a: {  	[sflag:s4] =	ssyncset.done $0x0  }
0x3b: {  	[sflag:s4] =	ssyncadd.s32 $0xFFFFFD88  }
0x3c: {  	[tilespmem:s7], [sflag:$0x1] =	stream.indirect.gather [hbm4b:s2+s6], $0x80, s3, s6, $0xb8;
	[tilespmem:$0x13E80] =	vst v63  }
0x3d: {  	_ =	swait.ge [sflag:s8], $0x13C00  }
0x3e: {  	[sflag:s8] =	ssyncset.done $0x0  }
0x3f: {  	[sflag:s8] =	ssyncadd.s32 $0xFFFEC400  }
0x40: {  	[hbm4b:s9+s3] =	stream.linear.scatter [tilespmem:s7], [sflag:$0x2], $0x13C00, $0x38;
	[tilespmem:$0x13E80] =	vst v63  }
0x41: {  	_ =	swait.ge [sflag:s4], $0x13C00  }
0x42: {  	[sflag:s4] =	ssyncset.done $0x0  }
0x43: {  	[sflag:s4] =	ssyncadd.s32 $0xFFFEC400  }
0x44: {  	[tilespmem:s3], [sflag:$0x2] =	stream.linear.gather [hbm4b:s10+s3], $0x278, $0x38;
	[tilespmem:$0x13E80] =	vst v63  }
0x45: {  	_ =	swait.ge [sflag:s4], $0x278  }
0x46: {  	[sflag:s4] =	ssyncset.done $0x0  }
0x47: {  	[sflag:s4] =	ssyncadd.s32 $0xFFFFFD88  }
0x48: {  	[tilespmem:s7], [sflag:$0x1] =	stream.indirect.gather [hbm4b:s2+s6], $0x80, s3, s6, $0xb8;
	[tilespmem:$0x13E80] =	vst v63  }
0x49: {  	_ =	swait.ge [sflag:s8], $0x13C00  }
0x4a: {  	[sflag:s8] =	ssyncset.done $0x0  }
0x4b: {  	[sflag:s8] =	ssyncadd.s32 $0xFFFEC400  }
0x4c: {  	[hbm4b:s11+s3] =	stream.linear.scatter [tilespmem:s7], [sflag:$0x2], $0x13C00, $0x38;
	[tilespmem:$0x13E80] =	vst v63  }
0x4d: {  	_ =	swait.ge [sflag:s4], $0x13C00  }
0x4e: {  	[sflag:s4] =	ssyncset.done $0x0  }
0x4f: {  	[sflag:s4] =	ssyncadd.s32 $0xFFFEC400  }
0x50: {  	[tilespmem:s3], [sflag:$0x2] =	stream.linear.gather [hbm4b:s12+s3], $0x278, $0x38;
	[tilespmem:$0x13E80] =	vst v63  }
0x51: {  	_ =	swait.ge [sflag:s4], $0x278  }
0x52: {  	[sflag:s4] =	ssyncset.done $0x0  }
0x53: {  	[sflag:s4] =	ssyncadd.s32 $0xFFFFFD88  }
0x54: {  	[tilespmem:s7], [sflag:$0x1] =	stream.indirect.gather [hbm4b:s2+s6], $0x80, s3, s6, $0xb8;
	[tilespmem:$0x13E80] =	vst v63  }
0x55: {  	_ =	swait.ge [sflag:s8], $0x13C00  }
0x56: {  	[sflag:s8] =	ssyncset.done $0x0  }
0x57: {  	[sflag:s8] =	ssyncadd.s32 $0xFFFEC400  }
0x58: {  	[hbm4b:s13+s3] =	stream.linear.scatter [tilespmem:s7], [sflag:$0x2], $0x13C00, $0x38;
	[tilespmem:$0x13E80] =	vst v63  }
0x59: {  	_ =	swait.ge [sflag:s4], $0x13C00  }
0x5a: {  	[sflag:s4] =	ssyncset.done $0x0  }
0x5b: {  	[sflag:s4] =	ssyncadd.s32 $0xFFFEC400  }
0x5c: {  	[tilespmem:s3], [sflag:$0x2] =	stream.linear.gather [hbm4b:s14+s3], $0x278, $0x38;
	[tilespmem:$0x13E80] =	vst v63  }
0x5d: {  	_ =	swait.ge [sflag:s4], $0x278  }
0x5e: {  	[sflag:s4] =	ssyncset.done $0x0  }
0x5f: {  	[sflag:s4] =	ssyncadd.s32 $0xFFFFFD88  }
0x60: {  	[tilespmem:s7], [sflag:$0x1] =	stream.indirect.gather [hbm4b:s2+s6], $0x80, s3, s6, $0xb8;
	[tilespmem:$0x13E80] =	vst v63  }
0x61: {  	_ =	swait.ge [sflag:s8], $0x13C00  }
.Ltmp1:
0x62: {  	[sflag:s8] =	ssyncset.done $0x0;
	(pc) =	sbr.rel @p0 .LBB2_1-.Ltmp1, $4  }
0x63: {  	[sflag:s8] =	ssyncadd.s32 $0xFFFEC400  }
0x64: {  	[hbm4b:s15+s3] =	stream.linear.scatter [tilespmem:s7], [sflag:$0x2], $0x13C00, $0x38;
	[tilespmem:$0x13E80] =	vst v63  }
0x65: {  	_ =	swait.ge [sflag:s4], $0x13C00  }
0x66: {  	[sflag:s4] =	ssyncset.done $0x0  }
.LBB2_2:
0x67: {  	[sflag:s4] =	ssyncadd.s32 $0xFFFEC400  }
0x68: {  	_ =	sfence.sel $0x180000  }
0x69: {  	[bflag:$0x0] =	sbarrier.arrive $0xFFFF  }
0x6a: {  	p0 =	sne.s32 s0, $0x0;
	_ =	strace $0x90000047  }
0x6b: {  	s0 =	sadd.s32 @!p0 $0x100000, s1;
	[bflag:$0x2] =	sbarrier.arrive $0xFFFF  }
0x6c: {  	[sflag:s0] =	ssyncadd.tile.s32 @!p0 $0x1;
	_ =	shalt  }
.Lfunc_end2:
_tile_overlayer_lowered:
.L_overlay_start_2:
0x6d: {  	(tag) =	ssettag $0x2  }
0x6e: {  	s0 =	rddreg [dreg:$0x0];
	s2 =	stileid.u32  }
0x6f: {  	s1 =	rddreg [dreg:$0x1];
	p0 =	sne.s32 s2, $0x0  }
0x70: {  	s3 =	rddreg [dreg:$0x2];
	[bflag:$0x3] =	sbarrier.arrive $0xFFFF;
	s2 =	simm.s32 @!p0 $0x1C02  }
0x71: {  	[timem:s3], [sflag:s2] =	dma.local @!p0 [hbm:s0], s1  }
0x72: {  	s0 =	simm.s32 @!p0 $0x2  }
0x73: {  	_ =	swait.ge @!p0 [sflag:s0], s1  }
0x74: {  	s1 =	ssub.s32 @!p0 $0x0, s1;
	[sflag:s0] =	ssyncset.done @!p0 $0x0  }
0x75: {  	[sflag:s0] =	ssyncadd.s32 @!p0 s1  }
0x76: {  	[bflag:$0x3] =	sbarrier.arrive $0xFFFF  }
0x77: {  	_ =	shalt  }

</sc_bundles>
